<compile_context>
chip_gen: v7x
topology: tpu7x:2x2x1
jax: 0.10.2.dev20260603
libtpu: 0.0.44.dev20260713+nightly
codegen_flags: <defaults>
</compile_context>

<pallas_src>
import functools

import jax
import jax.numpy as jnp
from jax import lax
from jax.experimental import pallas as pl
from jax.experimental.pallas import tpu as pltpu
from jax.experimental.pallas import tpu_sc as plsc

_NUM_CORES = 2
_NUM_SUBCORES = 16
_NW = _NUM_CORES * _NUM_SUBCORES
_CHUNK = 128
_ROW_BLOCK = 4096


_CONTRACT_DIM0 = (((0,), (0,)), ((), ()))


def _proj_body(pre_t_ref, tr_t_ref, w_ref, b_ref, out_ref):
    pd = pre_t_ref.shape[0]
    acc = lax.dot_general(pre_t_ref[...], w_ref[0:pd, :], _CONTRACT_DIM0,
                          preferred_element_type=jnp.float32)
    acc = acc + lax.dot_general(tr_t_ref[...], w_ref[pd:, :], _CONTRACT_DIM0,
                                preferred_element_type=jnp.float32)
    out_ref[...] = acc + b_ref[...]


def _project_tables(pre_t, tr_t, w, b2):
    PD, V = pre_t.shape
    TD = tr_t.shape[0]
    KD, OD = w.shape
    return pl.pallas_call(
        _proj_body,
        grid=(pl.cdiv(V, _ROW_BLOCK),),
        in_specs=[
            pl.BlockSpec((PD, _ROW_BLOCK), lambda i: (0, i)),
            pl.BlockSpec((TD, _ROW_BLOCK), lambda i: (0, i)),
            pl.BlockSpec((KD, OD), lambda i: (0, 0)),
            pl.BlockSpec((1, OD), lambda i: (0, 0)),
        ],
        out_specs=pl.BlockSpec((_ROW_BLOCK, OD), lambda i: (i, 0)),
        out_shape=jax.ShapeDtypeStruct((V, OD), jnp.float32),
    )(pre_t, tr_t, w, b2)


def _make_gather(N, OD, n_chunks):
    mesh = plsc.VectorSubcoreMesh(core_axis_name="c", subcore_axis_name="s")
    nbuf = 5
    assert n_chunks % nbuf == 0
    n_groups = n_chunks // nbuf

    @functools.partial(
        pl.kernel,
        mesh=mesh,
        out_type=jax.ShapeDtypeStruct((N, OD), jnp.float32),
        scratch_types=[
            pltpu.VMEM((n_chunks, _CHUNK), jnp.int32),
            pltpu.VMEM((nbuf, _CHUNK, OD), jnp.float32),
        ]
        + [pltpu.SemaphoreType.DMA] * (2 * nbuf),
    )
    def gather_k(table_hbm, idx_hbm, out_hbm, idx_v, rows_v, *sems):
        gsem, wsem = sems[:nbuf], sems[nbuf:]
        wid = lax.axis_index("s") * _NUM_CORES + lax.axis_index("c")
        base = wid * (n_chunks * _CHUNK)
        pltpu.sync_copy(idx_hbm.at[wid], idx_v)

        def body(g, carry):
            j0 = g * nbuf
            for bf in range(nbuf):
                @pl.when(g > 0)
                def _(bf=bf):
                    jprev = (g - 1) * nbuf + bf
                    pltpu.make_async_copy(
                        rows_v.at[bf],
                        out_hbm.at[pl.ds(base + jprev * _CHUNK, _CHUNK)],
                        wsem[bf]).wait()
                pltpu.async_copy(table_hbm.at[idx_v.at[j0 + bf]],
                                 rows_v.at[bf], gsem[bf])
            for bf in range(nbuf):
                pltpu.make_async_copy(table_hbm.at[idx_v.at[j0 + bf]],
                                      rows_v.at[bf], gsem[bf]).wait()
                pltpu.async_copy(
                    rows_v.at[bf],
                    out_hbm.at[pl.ds(base + (j0 + bf) * _CHUNK, _CHUNK)],
                    wsem[bf])
            return carry

        lax.fori_loop(0, n_groups, body, 0)
        for bf in range(nbuf):
            jlast = (n_groups - 1) * nbuf + bf
            pltpu.make_async_copy(
                rows_v.at[bf],
                out_hbm.at[pl.ds(base + jlast * _CHUNK, _CHUNK)],
                wsem[bf]).wait()

    return gather_k


def kernel(x, pretrained_table, trained_table, W, b):
    Bt, Lt = x.shape
    V, PD = pretrained_table.shape
    OD = W.shape[1]
    b2 = b.reshape(1, OD)

    table = _project_tables(pretrained_table.T, trained_table.T, W, b2)

    N = Bt * Lt
    n_chunks = N // (_NW * _CHUNK)
    idx = x.T.reshape(_NW, n_chunks, _CHUNK)
    out = _make_gather(N, OD, n_chunks)(table, idx)
    return out.reshape(Lt, Bt, OD).transpose(1, 0, 2)

# --- scband reference (transcript-rebuilt; emitter-appended) ---
"""Pipeline reference for scband-embedding-46995532152846 (READ-ONLY COPY).

The authoritative reference and input builder live on the scoring server;
editing this copy changes nothing except your own understanding.
"""

import jax, jax.numpy as jnp
import numpy as np

VOCAB = 100000
PRE_D = 300
TR_D = 64
OUT_D = 128
B, L = 4096, 50


def setup_inputs(seed: int = 0) -> dict:
    key = jax.random.key(seed)
    k1, k2, k3, k4, k5 = jax.random.split(key, 5)
    x = jax.random.randint(k1, (B, L), 0, VOCAB, dtype=jnp.int32)
    pretrained_table = jax.random.normal(k2, (VOCAB, PRE_D), dtype=jnp.float32)
    trained_table = jax.random.normal(k3, (VOCAB, TR_D), dtype=jnp.float32) * 0.02
    lim = 1.0 / np.sqrt(PRE_D + TR_D)
    W = jax.random.uniform(k4, (PRE_D + TR_D, OUT_D), dtype=jnp.float32, minval=-lim, maxval=lim)
    b = jax.random.uniform(k5, (OUT_D,), dtype=jnp.float32, minval=-lim, maxval=lim)
    return {"x": x, "pretrained_table": pretrained_table, "trained_table": trained_table, "W": W, "b": b}


def reference(x, pretrained_table, trained_table, W, b):
    # pretrained embedding lookup (frozen / detached in the original module)
    pre = jax.lax.stop_gradient(jnp.take(pretrained_table, x, axis=0))  # [B, L, PRE_D]
    # trained embedding lookup with out-of-vocab masking (x < trained vocab size)
    trained_vocab = trained_table.shape[0]
    valid = x < trained_vocab
    masked_x = jnp.where(valid, x, jnp.zeros_like(x))
    tr = jnp.take(trained_table, masked_x, axis=0)  # [B, L, TR_D]
    emb = jnp.concatenate((pre, tr), axis=2)  # [B, L, PRE_D+TR_D]
    # Feedforward projection (dropout=0.0 in eval, activation=identity)
    size = emb.shape
    flat = emb.reshape(-1, size[-1])
    out = flat @ W + b
    return out.reshape(size[0], size[1], -1)

if __name__ == "__main__":
    import jax
    _d = setup_inputs()
    print(jax.jit(kernel)(*tuple(_d.values())))

</pallas_src>

<mosaic_0001>
#map = affine_map<(d0, d1) -> (0, 0)>
#map1 = affine_map<(d0, d1) -> (0, 0, 0)>
module attributes {stable_mosaic.version = 14 : i64} {
  func.func @gather_k(%arg0: i32, %arg1: i32, %arg2: memref<100000x128xf32, #tpu.memory_space<hbm>>, %arg3: memref<32x50x128xi32, #tpu.memory_space<hbm>>, %arg4: memref<204800x128xf32, #tpu.memory_space<hbm>>, %arg5: memref<50x128xi32, #tpu.memory_space<vmem>>, %arg6: memref<5x128x128xf32, #tpu.memory_space<vmem>>, %arg7: memref<!tpu.dma_semaphore, #tpu.memory_space<semaphore_mem>>, %arg8: memref<!tpu.dma_semaphore, #tpu.memory_space<semaphore_mem>>, %arg9: memref<!tpu.dma_semaphore, #tpu.memory_space<semaphore_mem>>, %arg10: memref<!tpu.dma_semaphore, #tpu.memory_space<semaphore_mem>>, %arg11: memref<!tpu.dma_semaphore, #tpu.memory_space<semaphore_mem>>, %arg12: memref<!tpu.dma_semaphore, #tpu.memory_space<semaphore_mem>>, %arg13: memref<!tpu.dma_semaphore, #tpu.memory_space<semaphore_mem>>, %arg14: memref<!tpu.dma_semaphore, #tpu.memory_space<semaphore_mem>>, %arg15: memref<!tpu.dma_semaphore, #tpu.memory_space<semaphore_mem>>, %arg16: memref<!tpu.dma_semaphore, #tpu.memory_space<semaphore_mem>>) attributes {dimension_semantics = [#tpu.dimension_semantics<core_parallel>, #tpu.dimension_semantics<subcore_parallel>], iteration_bounds = array<i64: 2, 16>, scalar_prefetch = 0 : i64, scratch_operands = 12 : i64, tpu.core_type = #tpu.core_type<sc_vector_subcore>, window_params = [{transform_indices = #map}, {transform_indices = #map1}, {transform_indices = #map}]} {
    %mul3A = arith.constant 2 : i32
    %mul3A_0 = arith.muli %arg1, %mul3A : i32
    %add3A = arith.addi %mul3A_0, %arg0 : i32
    %mul3A_1 = arith.constant 6400 : i32
    %mul3A_2 = arith.muli %add3A, %mul3A_1 : i32
    "tpu.region"() ({
      %run_scoped3A = tpu.sem_alloc : memref<!tpu.dma_semaphore, #tpu.memory_space<semaphore_mem>>
      %dma_start3A = arith.constant 0 : i32
      %dma_start3A_82 = arith.constant 0 : i32
      %dma_start3A_83 = tpu.memref_slice %arg3[%add3A, %dma_start3A, %dma_start3A_82] : memref<32x50x128xi32, #tpu.memory_space<hbm>> -> memref<1x50x128xi32, #tpu.memory_space<hbm>>
      %dma_start3A_84 = tpu.memref_squeeze %dma_start3A_83 : memref<1x50x128xi32, #tpu.memory_space<hbm>> -> memref<50x128xi32, #tpu.memory_space<hbm>>
      %dma_start3A_85 = arith.constant 0 : i32
      %dma_start3A_86 = arith.constant 0 : i32
      %dma_start3A_87 = tpu.memref_slice %arg3[%add3A, %dma_start3A_85, %dma_start3A_86] : memref<32x50x128xi32, #tpu.memory_space<hbm>> -> memref<1x50x128xi32, #tpu.memory_space<hbm>>
      %dma_start3A_88 = tpu.memref_squeeze %dma_start3A_87 : memref<1x50x128xi32, #tpu.memory_space<hbm>> -> memref<50x128xi32, #tpu.memory_space<hbm>>
      tpu.enqueue_dma source(%dma_start3A_88 : memref<50x128xi32, #tpu.memory_space<hbm>>) target(%arg5 : memref<50x128xi32, #tpu.memory_space<vmem>>) target_semaphore(%run_scoped3A : memref<!tpu.dma_semaphore, #tpu.memory_space<semaphore_mem>>)
      %dma_wait3A_89 = arith.constant 0 : i32
      %dma_wait3A_90 = arith.constant 0 : i32
      %dma_wait3A_91 = tpu.memref_slice %arg3[%add3A, %dma_wait3A_89, %dma_wait3A_90] : memref<32x50x128xi32, #tpu.memory_space<hbm>> -> memref<1x50x128xi32, #tpu.memory_space<hbm>>
      %dma_wait3A_92 = tpu.memref_squeeze %dma_wait3A_91 : memref<1x50x128xi32, #tpu.memory_space<hbm>> -> memref<50x128xi32, #tpu.memory_space<hbm>>
      %dma_wait3A_93 = arith.constant 0 : i32
      %dma_wait3A_94 = arith.constant 0 : i32
      %dma_wait3A_95 = tpu.memref_slice %arg3[%add3A, %dma_wait3A_93, %dma_wait3A_94] : memref<32x50x128xi32, #tpu.memory_space<hbm>> -> memref<1x50x128xi32, #tpu.memory_space<hbm>>
      %dma_wait3A_96 = tpu.memref_squeeze %dma_wait3A_95 : memref<1x50x128xi32, #tpu.memory_space<hbm>> -> memref<50x128xi32, #tpu.memory_space<hbm>>
      tpu.wait_dma2 semaphore(%run_scoped3A : memref<!tpu.dma_semaphore, #tpu.memory_space<semaphore_mem>>) src(%dma_wait3A_96 : memref<50x128xi32, #tpu.memory_space<hbm>>) dst(%arg5 : memref<50x128xi32, #tpu.memory_space<vmem>>)
      tpu.yield
    }) : () -> ()
    %scan3A = arith.constant 0 : i32
    %scan3A_3 = arith.constant 0 : i32
    %scan3A_4 = arith.constant 10 : i32
    %scan3A_5 = arith.addi %scan3A_3, %scan3A_4 : i32
    %scan3A_6 = arith.constant 1 : i32
    scf.for %scan3A_82 = %scan3A_3 to %scan3A_5 step %scan3A_6  : i32 {
      %mul3A_83 = arith.constant 5 : i32
      %mul3A_84 = arith.muli %scan3A_82, %mul3A_83 : i32
      %gt3A = arith.constant 0 : i32
      %gt3A_85 = arith.cmpi sgt, %scan3A_82, %gt3A : i32
      %convert_element_type3A = arith.extui %gt3A_85 : i1 to i32
      %cond3A = arith.constant 0 : i32
      %cond3A_86 = arith.cmpi ne, %convert_element_type3A, %cond3A : i32
      scf.if %cond3A_86 {
        %sub3A = arith.constant 1 : i32
        %sub3A_326 = arith.subi %scan3A_82, %sub3A : i32
        %mul3A_327 = arith.constant 5 : i32
        %mul3A_328 = arith.muli %sub3A_326, %mul3A_327 : i32
        %add3A_329 = arith.constant 0 : i32
        %add3A_330 = arith.addi %mul3A_328, %add3A_329 : i32
        %mul3A_331 = arith.constant 128 : i32
        %mul3A_332 = arith.muli %add3A_330, %mul3A_331 : i32
        %add3A_333 = arith.addi %mul3A_2, %mul3A_332 : i32
        %dma_wait3A_334 = arith.constant 0 : i32
        %dma_wait3A_335 = arith.constant 0 : i32
        %dma_wait3A_336 = arith.constant 0 : i32
        %dma_wait3A_337 = tpu.memref_slice %arg6[%dma_wait3A_334, %dma_wait3A_335, %dma_wait3A_336] : memref<5x128x128xf32, #tpu.memory_space<vmem>> -> memref<1x128x128xf32, #tpu.memory_space<vmem>>
        %dma_wait3A_338 = tpu.memref_squeeze %dma_wait3A_337 : memref<1x128x128xf32, #tpu.memory_space<vmem>> -> memref<128x128xf32, #tpu.memory_space<vmem>>
        %dma_wait3A_339 = arith.constant 0 : i32
        %dma_wait3A_340 = tpu.memref_slice %arg4[%add3A_333, %dma_wait3A_339] : memref<204800x128xf32, #tpu.memory_space<hbm>> -> memref<128x128xf32, #tpu.memory_space<hbm>>
        %dma_wait3A_341 = arith.constant 0 : i32
        %dma_wait3A_342 = tpu.memref_slice %arg4[%add3A_333, %dma_wait3A_341] : memref<204800x128xf32, #tpu.memory_space<hbm>> -> memref<128x128xf32, #tpu.memory_space<hbm>>
        %dma_wait3A_343 = arith.constant 0 : i32
        %dma_wait3A_344 = arith.constant 0 : i32
        %dma_wait3A_345 = tpu.memref_slice %arg6[%dma_wait3A_334, %dma_wait3A_343, %dma_wait3A_344] : memref<5x128x128xf32, #tpu.memory_space<vmem>> -> memref<1x128x128xf32, #tpu.memory_space<vmem>>
        %dma_wait3A_346 = tpu.memref_squeeze %dma_wait3A_345 : memref<1x128x128xf32, #tpu.memory_space<vmem>> -> memref<128x128xf32, #tpu.memory_space<vmem>>
        tpu.wait_dma2 semaphore(%arg12 : memref<!tpu.dma_semaphore, #tpu.memory_space<semaphore_mem>>) src(%dma_wait3A_346 : memref<128x128xf32, #tpu.memory_space<vmem>>) dst(%dma_wait3A_342 : memref<128x128xf32, #tpu.memory_space<hbm>>)
      } else {
      }
      %add3A_87 = arith.constant 0 : i32
      %add3A_88 = arith.addi %mul3A_84, %add3A_87 : i32
      %dma_start3A = arith.constant 0 : i32
      %dma_start3A_89 = arith.constant 0 : i32
      %dma_start3A_90 = arith.constant 0 : i32
      %dma_start3A_91 = tpu.memref_slice %arg6[%dma_start3A, %dma_start3A_89, %dma_start3A_90] : memref<5x128x128xf32, #tpu.memory_space<vmem>> -> memref<1x128x128xf32, #tpu.memory_space<vmem>>
      %dma_start3A_92 = tpu.memref_squeeze %dma_start3A_91 : memref<1x128x128xf32, #tpu.memory_space<vmem>> -> memref<128x128xf32, #tpu.memory_space<vmem>>
      %dma_start3A_93 = arith.constant 0 : i32
      %dma_start3A_94 = tpu.memref_slice %arg5[%add3A_88, %dma_start3A_93] : memref<50x128xi32, #tpu.memory_space<vmem>> -> memref<1x128xi32, #tpu.memory_space<vmem>>
      %dma_start3A_95 = tpu.memref_squeeze %dma_start3A_94 : memref<1x128xi32, #tpu.memory_space<vmem>> -> memref<128xi32, #tpu.memory_space<vmem>>
      %dma_start3A_96 = arith.constant 0 : i32
      %dma_start3A_97 = arith.constant 0 : i32
      %dma_start3A_98 = tpu.memref_slice %arg2[%dma_start3A_96, %dma_start3A_97] : memref<100000x128xf32, #tpu.memory_space<hbm>> -> memref<100000x128xf32, #tpu.memory_space<hbm>>
      tpu.enqueue_indirect_dma source(%dma_start3A_98 : memref<100000x128xf32, #tpu.memory_space<hbm>>) target(%dma_start3A_92 : memref<128x128xf32, #tpu.memory_space<vmem>>) offsets(%dma_start3A_95 : memref<128xi32, #tpu.memory_space<vmem>>) semaphore(%arg7 : memref<!tpu.dma_semaphore, #tpu.memory_space<semaphore_mem>>)
      %gt3A_99 = arith.constant 0 : i32
      %gt3A_100 = arith.cmpi sgt, %scan3A_82, %gt3A_99 : i32
      %convert_element_type3A_101 = arith.extui %gt3A_100 : i1 to i32
      %cond3A_102 = arith.constant 0 : i32
      %cond3A_103 = arith.cmpi ne, %convert_element_type3A_101, %cond3A_102 : i32
      scf.if %cond3A_103 {
        %sub3A = arith.constant 1 : i32
        %sub3A_326 = arith.subi %scan3A_82, %sub3A : i32
        %mul3A_327 = arith.constant 5 : i32
        %mul3A_328 = arith.muli %sub3A_326, %mul3A_327 : i32
        %add3A_329 = arith.constant 1 : i32
        %add3A_330 = arith.addi %mul3A_328, %add3A_329 : i32
        %mul3A_331 = arith.constant 128 : i32
        %mul3A_332 = arith.muli %add3A_330, %mul3A_331 : i32
        %add3A_333 = arith.addi %mul3A_2, %mul3A_332 : i32
        %dma_wait3A_334 = arith.constant 1 : i32
        %dma_wait3A_335 = arith.constant 0 : i32
        %dma_wait3A_336 = arith.constant 0 : i32
        %dma_wait3A_337 = tpu.memref_slice %arg6[%dma_wait3A_334, %dma_wait3A_335, %dma_wait3A_336] : memref<5x128x128xf32, #tpu.memory_space<vmem>> -> memref<1x128x128xf32, #tpu.memory_space<vmem>>
        %dma_wait3A_338 = tpu.memref_squeeze %dma_wait3A_337 : memref<1x128x128xf32, #tpu.memory_space<vmem>> -> memref<128x128xf32, #tpu.memory_space<vmem>>
        %dma_wait3A_339 = arith.constant 0 : i32
        %dma_wait3A_340 = tpu.memref_slice %arg4[%add3A_333, %dma_wait3A_339] : memref<204800x128xf32, #tpu.memory_space<hbm>> -> memref<128x128xf32, #tpu.memory_space<hbm>>
        %dma_wait3A_341 = arith.constant 0 : i32
        %dma_wait3A_342 = tpu.memref_slice %arg4[%add3A_333, %dma_wait3A_341] : memref<204800x128xf32, #tpu.memory_space<hbm>> -> memref<128x128xf32, #tpu.memory_space<hbm>>
        %dma_wait3A_343 = arith.constant 0 : i32
        %dma_wait3A_344 = arith.constant 0 : i32
        %dma_wait3A_345 = tpu.memref_slice %arg6[%dma_wait3A_334, %dma_wait3A_343, %dma_wait3A_344] : memref<5x128x128xf32, #tpu.memory_space<vmem>> -> memref<1x128x128xf32, #tpu.memory_space<vmem>>
        %dma_wait3A_346 = tpu.memref_squeeze %dma_wait3A_345 : memref<1x128x128xf32, #tpu.memory_space<vmem>> -> memref<128x128xf32, #tpu.memory_space<vmem>>
        tpu.wait_dma2 semaphore(%arg13 : memref<!tpu.dma_semaphore, #tpu.memory_space<semaphore_mem>>) src(%dma_wait3A_346 : memref<128x128xf32, #tpu.memory_space<vmem>>) dst(%dma_wait3A_342 : memref<128x128xf32, #tpu.memory_space<hbm>>)
      } else {
      }
      %add3A_104 = arith.constant 1 : i32
      %add3A_105 = arith.addi %mul3A_84, %add3A_104 : i32
      %dma_start3A_106 = arith.constant 1 : i32
      %dma_start3A_107 = arith.constant 0 : i32
      %dma_start3A_108 = arith.constant 0 : i32
      %dma_start3A_109 = tpu.memref_slice %arg6[%dma_start3A_106, %dma_start3A_107, %dma_start3A_108] : memref<5x128x128xf32, #tpu.memory_space<vmem>> -> memref<1x128x128xf32, #tpu.memory_space<vmem>>
      %dma_start3A_110 = tpu.memref_squeeze %dma_start3A_109 : memref<1x128x128xf32, #tpu.memory_space<vmem>> -> memref<128x128xf32, #tpu.memory_space<vmem>>
      %dma_start3A_111 = arith.constant 0 : i32
      %dma_start3A_112 = tpu.memref_slice %arg5[%add3A_105, %dma_start3A_111] : memref<50x128xi32, #tpu.memory_space<vmem>> -> memref<1x128xi32, #tpu.memory_space<vmem>>
      %dma_start3A_113 = tpu.memref_squeeze %dma_start3A_112 : memref<1x128xi32, #tpu.memory_space<vmem>> -> memref<128xi32, #tpu.memory_space<vmem>>
      %dma_start3A_114 = arith.constant 0 : i32
      %dma_start3A_115 = arith.constant 0 : i32
      %dma_start3A_116 = tpu.memref_slice %arg2[%dma_start3A_114, %dma_start3A_115] : memref<100000x128xf32, #tpu.memory_space<hbm>> -> memref<100000x128xf32, #tpu.memory_space<hbm>>
      tpu.enqueue_indirect_dma source(%dma_start3A_116 : memref<100000x128xf32, #tpu.memory_space<hbm>>) target(%dma_start3A_110 : memref<128x128xf32, #tpu.memory_space<vmem>>) offsets(%dma_start3A_113 : memref<128xi32, #tpu.memory_space<vmem>>) semaphore(%arg8 : memref<!tpu.dma_semaphore, #tpu.memory_space<semaphore_mem>>)
      %gt3A_117 = arith.constant 0 : i32
      %gt3A_118 = arith.cmpi sgt, %scan3A_82, %gt3A_117 : i32
      %convert_element_type3A_119 = arith.extui %gt3A_118 : i1 to i32
      %cond3A_120 = arith.constant 0 : i32
      %cond3A_121 = arith.cmpi ne, %convert_element_type3A_119, %cond3A_120 : i32
      scf.if %cond3A_121 {
        %sub3A = arith.constant 1 : i32
        %sub3A_326 = arith.subi %scan3A_82, %sub3A : i32
        %mul3A_327 = arith.constant 5 : i32
        %mul3A_328 = arith.muli %sub3A_326, %mul3A_327 : i32
        %add3A_329 = arith.constant 2 : i32
        %add3A_330 = arith.addi %mul3A_328, %add3A_329 : i32
        %mul3A_331 = arith.constant 128 : i32
        %mul3A_332 = arith.muli %add3A_330, %mul3A_331 : i32
        %add3A_333 = arith.addi %mul3A_2, %mul3A_332 : i32
        %dma_wait3A_334 = arith.constant 2 : i32
        %dma_wait3A_335 = arith.constant 0 : i32
        %dma_wait3A_336 = arith.constant 0 : i32
        %dma_wait3A_337 = tpu.memref_slice %arg6[%dma_wait3A_334, %dma_wait3A_335, %dma_wait3A_336] : memref<5x128x128xf32, #tpu.memory_space<vmem>> -> memref<1x128x128xf32, #tpu.memory_space<vmem>>
        %dma_wait3A_338 = tpu.memref_squeeze %dma_wait3A_337 : memref<1x128x128xf32, #tpu.memory_space<vmem>> -> memref<128x128xf32, #tpu.memory_space<vmem>>
        %dma_wait3A_339 = arith.constant 0 : i32
        %dma_wait3A_340 = tpu.memref_slice %arg4[%add3A_333, %dma_wait3A_339] : memref<204800x128xf32, #tpu.memory_space<hbm>> -> memref<128x128xf32, #tpu.memory_space<hbm>>
        %dma_wait3A_341 = arith.constant 0 : i32
        %dma_wait3A_342 = tpu.memref_slice %arg4[%add3A_333, %dma_wait3A_341] : memref<204800x128xf32, #tpu.memory_space<hbm>> -> memref<128x128xf32, #tpu.memory_space<hbm>>
        %dma_wait3A_343 = arith.constant 0 : i32
        %dma_wait3A_344 = arith.constant 0 : i32
        %dma_wait3A_345 = tpu.memref_slice %arg6[%dma_wait3A_334, %dma_wait3A_343, %dma_wait3A_344] : memref<5x128x128xf32, #tpu.memory_space<vmem>> -> memref<1x128x128xf32, #tpu.memory_space<vmem>>
        %dma_wait3A_346 = tpu.memref_squeeze %dma_wait3A_345 : memref<1x128x128xf32, #tpu.memory_space<vmem>> -> memref<128x128xf32, #tpu.memory_space<vmem>>
        tpu.wait_dma2 semaphore(%arg14 : memref<!tpu.dma_semaphore, #tpu.memory_space<semaphore_mem>>) src(%dma_wait3A_346 : memref<128x128xf32, #tpu.memory_space<vmem>>) dst(%dma_wait3A_342 : memref<128x128xf32, #tpu.memory_space<hbm>>)
      } else {
      }
      %add3A_122 = arith.constant 2 : i32
      %add3A_123 = arith.addi %mul3A_84, %add3A_122 : i32
      %dma_start3A_124 = arith.constant 2 : i32
      %dma_start3A_125 = arith.constant 0 : i32
      %dma_start3A_126 = arith.constant 0 : i32
      %dma_start3A_127 = tpu.memref_slice %arg6[%dma_start3A_124, %dma_start3A_125, %dma_start3A_126] : memref<5x128x128xf32, #tpu.memory_space<vmem>> -> memref<1x128x128xf32, #tpu.memory_space<vmem>>
      %dma_start3A_128 = tpu.memref_squeeze %dma_start3A_127 : memref<1x128x128xf32, #tpu.memory_space<vmem>> -> memref<128x128xf32, #tpu.memory_space<vmem>>
      %dma_start3A_129 = arith.constant 0 : i32
      %dma_start3A_130 = tpu.memref_slice %arg5[%add3A_123, %dma_start3A_129] : memref<50x128xi32, #tpu.memory_space<vmem>> -> memref<1x128xi32, #tpu.memory_space<vmem>>
      %dma_start3A_131 = tpu.memref_squeeze %dma_start3A_130 : memref<1x128xi32, #tpu.memory_space<vmem>> -> memref<128xi32, #tpu.memory_space<vmem>>
      %dma_start3A_132 = arith.constant 0 : i32
      %dma_start3A_133 = arith.constant 0 : i32
      %dma_start3A_134 = tpu.memref_slice %arg2[%dma_start3A_132, %dma_start3A_133] : memref<100000x128xf32, #tpu.memory_space<hbm>> -> memref<100000x128xf32, #tpu.memory_space<hbm>>
      tpu.enqueue_indirect_dma source(%dma_start3A_134 : memref<100000x128xf32, #tpu.memory_space<hbm>>) target(%dma_start3A_128 : memref<128x128xf32, #tpu.memory_space<vmem>>) offsets(%dma_start3A_131 : memref<128xi32, #tpu.memory_space<vmem>>) semaphore(%arg9 : memref<!tpu.dma_semaphore, #tpu.memory_space<semaphore_mem>>)
      %gt3A_135 = arith.constant 0 : i32
      %gt3A_136 = arith.cmpi sgt, %scan3A_82, %gt3A_135 : i32
      %convert_element_type3A_137 = arith.extui %gt3A_136 : i1 to i32
      %cond3A_138 = arith.constant 0 : i32
      %cond3A_139 = arith.cmpi ne, %convert_element_type3A_137, %cond3A_138 : i32
      scf.if %cond3A_139 {
        %sub3A = arith.constant 1 : i32
        %sub3A_326 = arith.subi %scan3A_82, %sub3A : i32
        %mul3A_327 = arith.constant 5 : i32
        %mul3A_328 = arith.muli %sub3A_326, %mul3A_327 : i32
        %add3A_329 = arith.constant 3 : i32
        %add3A_330 = arith.addi %mul3A_328, %add3A_329 : i32
        %mul3A_331 = arith.constant 128 : i32
        %mul3A_332 = arith.muli %add3A_330, %mul3A_331 : i32
        %add3A_333 = arith.addi %mul3A_2, %mul3A_332 : i32
        %dma_wait3A_334 = arith.constant 3 : i32
        %dma_wait3A_335 = arith.constant 0 : i32
        %dma_wait3A_336 = arith.constant 0 : i32
        %dma_wait3A_337 = tpu.memref_slice %arg6[%dma_wait3A_334, %dma_wait3A_335, %dma_wait3A_336] : memref<5x128x128xf32, #tpu.memory_space<vmem>> -> memref<1x128x128xf32, #tpu.memory_space<vmem>>
        %dma_wait3A_338 = tpu.memref_squeeze %dma_wait3A_337 : memref<1x128x128xf32, #tpu.memory_space<vmem>> -> memref<128x128xf32, #tpu.memory_space<vmem>>
        %dma_wait3A_339 = arith.constant 0 : i32
        %dma_wait3A_340 = tpu.memref_slice %arg4[%add3A_333, %dma_wait3A_339] : memref<204800x128xf32, #tpu.memory_space<hbm>> -> memref<128x128xf32, #tpu.memory_space<hbm>>
        %dma_wait3A_341 = arith.constant 0 : i32
        %dma_wait3A_342 = tpu.memref_slice %arg4[%add3A_333, %dma_wait3A_341] : memref<204800x128xf32, #tpu.memory_space<hbm>> -> memref<128x128xf32, #tpu.memory_space<hbm>>
        %dma_wait3A_343 = arith.constant 0 : i32
        %dma_wait3A_344 = arith.constant 0 : i32
        %dma_wait3A_345 = tpu.memref_slice %arg6[%dma_wait3A_334, %dma_wait3A_343, %dma_wait3A_344] : memref<5x128x128xf32, #tpu.memory_space<vmem>> -> memref<1x128x128xf32, #tpu.memory_space<vmem>>
        %dma_wait3A_346 = tpu.memref_squeeze %dma_wait3A_345 : memref<1x128x128xf32, #tpu.memory_space<vmem>> -> memref<128x128xf32, #tpu.memory_space<vmem>>
        tpu.wait_dma2 semaphore(%arg15 : memref<!tpu.dma_semaphore, #tpu.memory_space<semaphore_mem>>) src(%dma_wait3A_346 : memref<128x128xf32, #tpu.memory_space<vmem>>) dst(%dma_wait3A_342 : memref<128x128xf32, #tpu.memory_space<hbm>>)
      } else {
      }
      %add3A_140 = arith.constant 3 : i32
      %add3A_141 = arith.addi %mul3A_84, %add3A_140 : i32
      %dma_start3A_142 = arith.constant 3 : i32
      %dma_start3A_143 = arith.constant 0 : i32
      %dma_start3A_144 = arith.constant 0 : i32
      %dma_start3A_145 = tpu.memref_slice %arg6[%dma_start3A_142, %dma_start3A_143, %dma_start3A_144] : memref<5x128x128xf32, #tpu.memory_space<vmem>> -> memref<1x128x128xf32, #tpu.memory_space<vmem>>
      %dma_start3A_146 = tpu.memref_squeeze %dma_start3A_145 : memref<1x128x128xf32, #tpu.memory_space<vmem>> -> memref<128x128xf32, #tpu.memory_space<vmem>>
      %dma_start3A_147 = arith.constant 0 : i32
      %dma_start3A_148 = tpu.memref_slice %arg5[%add3A_141, %dma_start3A_147] : memref<50x128xi32, #tpu.memory_space<vmem>> -> memref<1x128xi32, #tpu.memory_space<vmem>>
      %dma_start3A_149 = tpu.memref_squeeze %dma_start3A_148 : memref<1x128xi32, #tpu.memory_space<vmem>> -> memref<128xi32, #tpu.memory_space<vmem>>
      %dma_start3A_150 = arith.constant 0 : i32
      %dma_start3A_151 = arith.constant 0 : i32
      %dma_start3A_152 = tpu.memref_slice %arg2[%dma_start3A_150, %dma_start3A_151] : memref<100000x128xf32, #tpu.memory_space<hbm>> -> memref<100000x128xf32, #tpu.memory_space<hbm>>
      tpu.enqueue_indirect_dma source(%dma_start3A_152 : memref<100000x128xf32, #tpu.memory_space<hbm>>) target(%dma_start3A_146 : memref<128x128xf32, #tpu.memory_space<vmem>>) offsets(%dma_start3A_149 : memref<128xi32, #tpu.memory_space<vmem>>) semaphore(%arg10 : memref<!tpu.dma_semaphore, #tpu.memory_space<semaphore_mem>>)
      %gt3A_153 = arith.constant 0 : i32
      %gt3A_154 = arith.cmpi sgt, %scan3A_82, %gt3A_153 : i32
      %convert_element_type3A_155 = arith.extui %gt3A_154 : i1 to i32
      %cond3A_156 = arith.constant 0 : i32
      %cond3A_157 = arith.cmpi ne, %convert_element_type3A_155, %cond3A_156 : i32
      scf.if %cond3A_157 {
        %sub3A = arith.constant 1 : i32
        %sub3A_326 = arith.subi %scan3A_82, %sub3A : i32
        %mul3A_327 = arith.constant 5 : i32
        %mul3A_328 = arith.muli %sub3A_326, %mul3A_327 : i32
        %add3A_329 = arith.constant 4 : i32
        %add3A_330 = arith.addi %mul3A_328, %add3A_329 : i32
        %mul3A_331 = arith.constant 128 : i32
        %mul3A_332 = arith.muli %add3A_330, %mul3A_331 : i32
        %add3A_333 = arith.addi %mul3A_2, %mul3A_332 : i32
        %dma_wait3A_334 = arith.constant 4 : i32
        %dma_wait3A_335 = arith.constant 0 : i32
        %dma_wait3A_336 = arith.constant 0 : i32
        %dma_wait3A_337 = tpu.memref_slice %arg6[%dma_wait3A_334, %dma_wait3A_335, %dma_wait3A_336] : memref<5x128x128xf32, #tpu.memory_space<vmem>> -> memref<1x128x128xf32, #tpu.memory_space<vmem>>
        %dma_wait3A_338 = tpu.memref_squeeze %dma_wait3A_337 : memref<1x128x128xf32, #tpu.memory_space<vmem>> -> memref<128x128xf32, #tpu.memory_space<vmem>>
        %dma_wait3A_339 = arith.constant 0 : i32
        %dma_wait3A_340 = tpu.memref_slice %arg4[%add3A_333, %dma_wait3A_339] : memref<204800x128xf32, #tpu.memory_space<hbm>> -> memref<128x128xf32, #tpu.memory_space<hbm>>
        %dma_wait3A_341 = arith.constant 0 : i32
        %dma_wait3A_342 = tpu.memref_slice %arg4[%add3A_333, %dma_wait3A_341] : memref<204800x128xf32, #tpu.memory_space<hbm>> -> memref<128x128xf32, #tpu.memory_space<hbm>>
        %dma_wait3A_343 = arith.constant 0 : i32
        %dma_wait3A_344 = arith.constant 0 : i32
        %dma_wait3A_345 = tpu.memref_slice %arg6[%dma_wait3A_334, %dma_wait3A_343, %dma_wait3A_344] : memref<5x128x128xf32, #tpu.memory_space<vmem>> -> memref<1x128x128xf32, #tpu.memory_space<vmem>>
        %dma_wait3A_346 = tpu.memref_squeeze %dma_wait3A_345 : memref<1x128x128xf32, #tpu.memory_space<vmem>> -> memref<128x128xf32, #tpu.memory_space<vmem>>
        tpu.wait_dma2 semaphore(%arg16 : memref<!tpu.dma_semaphore, #tpu.memory_space<semaphore_mem>>) src(%dma_wait3A_346 : memref<128x128xf32, #tpu.memory_space<vmem>>) dst(%dma_wait3A_342 : memref<128x128xf32, #tpu.memory_space<hbm>>)
      } else {
      }
      %add3A_158 = arith.constant 4 : i32
      %add3A_159 = arith.addi %mul3A_84, %add3A_158 : i32
      %dma_start3A_160 = arith.constant 4 : i32
      %dma_start3A_161 = arith.constant 0 : i32
      %dma_start3A_162 = arith.constant 0 : i32
      %dma_start3A_163 = tpu.memref_slice %arg6[%dma_start3A_160, %dma_start3A_161, %dma_start3A_162] : memref<5x128x128xf32, #tpu.memory_space<vmem>> -> memref<1x128x128xf32, #tpu.memory_space<vmem>>
      %dma_start3A_164 = tpu.memref_squeeze %dma_start3A_163 : memref<1x128x128xf32, #tpu.memory_space<vmem>> -> memref<128x128xf32, #tpu.memory_space<vmem>>
      %dma_start3A_165 = arith.constant 0 : i32
      %dma_start3A_166 = tpu.memref_slice %arg5[%add3A_159, %dma_start3A_165] : memref<50x128xi32, #tpu.memory_space<vmem>> -> memref<1x128xi32, #tpu.memory_space<vmem>>
      %dma_start3A_167 = tpu.memref_squeeze %dma_start3A_166 : memref<1x128xi32, #tpu.memory_space<vmem>> -> memref<128xi32, #tpu.memory_space<vmem>>
      %dma_start3A_168 = arith.constant 0 : i32
      %dma_start3A_169 = arith.constant 0 : i32
      %dma_start3A_170 = tpu.memref_slice %arg2[%dma_start3A_168, %dma_start3A_169] : memref<100000x128xf32, #tpu.memory_space<hbm>> -> memref<100000x128xf32, #tpu.memory_space<hbm>>
      tpu.enqueue_indirect_dma source(%dma_start3A_170 : memref<100000x128xf32, #tpu.memory_space<hbm>>) target(%dma_start3A_164 : memref<128x128xf32, #tpu.memory_space<vmem>>) offsets(%dma_start3A_167 : memref<128xi32, #tpu.memory_space<vmem>>) semaphore(%arg11 : memref<!tpu.dma_semaphore, #tpu.memory_space<semaphore_mem>>)
      %add3A_171 = arith.constant 0 : i32
      %add3A_172 = arith.addi %mul3A_84, %add3A_171 : i32
      %dma_wait3A_173 = arith.constant 0 : i32
      %dma_wait3A_174 = arith.constant 0 : i32
      %dma_wait3A_175 = arith.constant 0 : i32
      %dma_wait3A_176 = tpu.memref_slice %arg6[%dma_wait3A_173, %dma_wait3A_174, %dma_wait3A_175] : memref<5x128x128xf32, #tpu.memory_space<vmem>> -> memref<1x128x128xf32, #tpu.memory_space<vmem>>
      %dma_wait3A_177 = tpu.memref_squeeze %dma_wait3A_176 : memref<1x128x128xf32, #tpu.memory_space<vmem>> -> memref<128x128xf32, #tpu.memory_space<vmem>>
      %dma_wait3A_178 = arith.constant 0 : i32
      %dma_wait3A_179 = tpu.memref_slice %arg5[%add3A_172, %dma_wait3A_178] : memref<50x128xi32, #tpu.memory_space<vmem>> -> memref<1x128xi32, #tpu.memory_space<vmem>>
      %dma_wait3A_180 = tpu.memref_squeeze %dma_wait3A_179 : memref<1x128xi32, #tpu.memory_space<vmem>> -> memref<128xi32, #tpu.memory_space<vmem>>
      %dma_wait3A_181 = arith.constant 0 : i32
      %dma_wait3A_182 = arith.constant 0 : i32
      %dma_wait3A_183 = tpu.memref_slice %arg2[%dma_wait3A_181, %dma_wait3A_182] : memref<100000x128xf32, #tpu.memory_space<hbm>> -> memref<100000x128xf32, #tpu.memory_space<hbm>>
      tpu.wait_indirect_dma semaphore(%arg7 : memref<!tpu.dma_semaphore, #tpu.memory_space<semaphore_mem>>) src(%dma_wait3A_183 : memref<100000x128xf32, #tpu.memory_space<hbm>>) dst(%dma_wait3A_177 : memref<128x128xf32, #tpu.memory_space<vmem>>)
      %add3A_184 = arith.constant 0 : i32
      %add3A_185 = arith.addi %mul3A_84, %add3A_184 : i32
      %mul3A_186 = arith.constant 128 : i32
      %mul3A_187 = arith.muli %add3A_185, %mul3A_186 : i32
      %add3A_188 = arith.addi %mul3A_2, %mul3A_187 : i32
      %dma_start3A_189 = arith.constant 0 : i32
      %dma_start3A_190 = arith.constant 0 : i32
      %dma_start3A_191 = arith.constant 0 : i32
      %dma_start3A_192 = tpu.memref_slice %arg6[%dma_start3A_189, %dma_start3A_190, %dma_start3A_191] : memref<5x128x128xf32, #tpu.memory_space<vmem>> -> memref<1x128x128xf32, #tpu.memory_space<vmem>>
      %dma_start3A_193 = tpu.memref_squeeze %dma_start3A_192 : memref<1x128x128xf32, #tpu.memory_space<vmem>> -> memref<128x128xf32, #tpu.memory_space<vmem>>
      %dma_start3A_194 = arith.constant 0 : i32
      %dma_start3A_195 = tpu.memref_slice %arg4[%add3A_188, %dma_start3A_194] : memref<204800x128xf32, #tpu.memory_space<hbm>> -> memref<128x128xf32, #tpu.memory_space<hbm>>
      %dma_start3A_196 = arith.constant 0 : i32
      %dma_start3A_197 = tpu.memref_slice %arg4[%add3A_188, %dma_start3A_196] : memref<204800x128xf32, #tpu.memory_space<hbm>> -> memref<128x128xf32, #tpu.memory_space<hbm>>
      %dma_start3A_198 = arith.constant 0 : i32
      %dma_start3A_199 = arith.constant 0 : i32
      %dma_start3A_200 = tpu.memref_slice %arg6[%dma_start3A_189, %dma_start3A_198, %dma_start3A_199] : memref<5x128x128xf32, #tpu.memory_space<vmem>> -> memref<1x128x128xf32, #tpu.memory_space<vmem>>
      %dma_start3A_201 = tpu.memref_squeeze %dma_start3A_200 : memref<1x128x128xf32, #tpu.memory_space<vmem>> -> memref<128x128xf32, #tpu.memory_space<vmem>>
      tpu.enqueue_dma source(%dma_start3A_201 : memref<128x128xf32, #tpu.memory_space<vmem>>) target(%dma_start3A_197 : memref<128x128xf32, #tpu.memory_space<hbm>>) target_semaphore(%arg12 : memref<!tpu.dma_semaphore, #tpu.memory_space<semaphore_mem>>)
      %add3A_202 = arith.constant 1 : i32
      %add3A_203 = arith.addi %mul3A_84, %add3A_202 : i32
      %dma_wait3A_204 = arith.constant 1 : i32
      %dma_wait3A_205 = arith.constant 0 : i32
      %dma_wait3A_206 = arith.constant 0 : i32
      %dma_wait3A_207 = tpu.memref_slice %arg6[%dma_wait3A_204, %dma_wait3A_205, %dma_wait3A_206] : memref<5x128x128xf32, #tpu.memory_space<vmem>> -> memref<1x128x128xf32, #tpu.memory_space<vmem>>
      %dma_wait3A_208 = tpu.memref_squeeze %dma_wait3A_207 : memref<1x128x128xf32, #tpu.memory_space<vmem>> -> memref<128x128xf32, #tpu.memory_space<vmem>>
      %dma_wait3A_209 = arith.constant 0 : i32
      %dma_wait3A_210 = tpu.memref_slice %arg5[%add3A_203, %dma_wait3A_209] : memref<50x128xi32, #tpu.memory_space<vmem>> -> memref<1x128xi32, #tpu.memory_space<vmem>>
      %dma_wait3A_211 = tpu.memref_squeeze %dma_wait3A_210 : memref<1x128xi32, #tpu.memory_space<vmem>> -> memref<128xi32, #tpu.memory_space<vmem>>
      %dma_wait3A_212 = arith.constant 0 : i32
      %dma_wait3A_213 = arith.constant 0 : i32
      %dma_wait3A_214 = tpu.memref_slice %arg2[%dma_wait3A_212, %dma_wait3A_213] : memref<100000x128xf32, #tpu.memory_space<hbm>> -> memref<100000x128xf32, #tpu.memory_space<hbm>>
      tpu.wait_indirect_dma semaphore(%arg8 : memref<!tpu.dma_semaphore, #tpu.memory_space<semaphore_mem>>) src(%dma_wait3A_214 : memref<100000x128xf32, #tpu.memory_space<hbm>>) dst(%dma_wait3A_208 : memref<128x128xf32, #tpu.memory_space<vmem>>)
      %add3A_215 = arith.constant 1 : i32
      %add3A_216 = arith.addi %mul3A_84, %add3A_215 : i32
      %mul3A_217 = arith.constant 128 : i32
      %mul3A_218 = arith.muli %add3A_216, %mul3A_217 : i32
      %add3A_219 = arith.addi %mul3A_2, %mul3A_218 : i32
      %dma_start3A_220 = arith.constant 1 : i32
      %dma_start3A_221 = arith.constant 0 : i32
      %dma_start3A_222 = arith.constant 0 : i32
      %dma_start3A_223 = tpu.memref_slice %arg6[%dma_start3A_220, %dma_start3A_221, %dma_start3A_222] : memref<5x128x128xf32, #tpu.memory_space<vmem>> -> memref<1x128x128xf32, #tpu.memory_space<vmem>>
      %dma_start3A_224 = tpu.memref_squeeze %dma_start3A_223 : memref<1x128x128xf32, #tpu.memory_space<vmem>> -> memref<128x128xf32, #tpu.memory_space<vmem>>
      %dma_start3A_225 = arith.constant 0 : i32
      %dma_start3A_226 = tpu.memref_slice %arg4[%add3A_219, %dma_start3A_225] : memref<204800x128xf32, #tpu.memory_space<hbm>> -> memref<128x128xf32, #tpu.memory_space<hbm>>
      %dma_start3A_227 = arith.constant 0 : i32
      %dma_start3A_228 = tpu.memref_slice %arg4[%add3A_219, %dma_start3A_227] : memref<204800x128xf32, #tpu.memory_space<hbm>> -> memref<128x128xf32, #tpu.memory_space<hbm>>
      %dma_start3A_229 = arith.constant 0 : i32
      %dma_start3A_230 = arith.constant 0 : i32
      %dma_start3A_231 = tpu.memref_slice %arg6[%dma_start3A_220, %dma_start3A_229, %dma_start3A_230] : memref<5x128x128xf32, #tpu.memory_space<vmem>> -> memref<1x128x128xf32, #tpu.memory_space<vmem>>
      %dma_start3A_232 = tpu.memref_squeeze %dma_start3A_231 : memref<1x128x128xf32, #tpu.memory_space<vmem>> -> memref<128x128xf32, #tpu.memory_space<vmem>>
      tpu.enqueue_dma source(%dma_start3A_232 : memref<128x128xf32, #tpu.memory_space<vmem>>) target(%dma_start3A_228 : memref<128x128xf32, #tpu.memory_space<hbm>>) target_semaphore(%arg13 : memref<!tpu.dma_semaphore, #tpu.memory_space<semaphore_mem>>)
      %add3A_233 = arith.constant 2 : i32
      %add3A_234 = arith.addi %mul3A_84, %add3A_233 : i32
      %dma_wait3A_235 = arith.constant 2 : i32
      %dma_wait3A_236 = arith.constant 0 : i32
      %dma_wait3A_237 = arith.constant 0 : i32
      %dma_wait3A_238 = tpu.memref_slice %arg6[%dma_wait3A_235, %dma_wait3A_236, %dma_wait3A_237] : memref<5x128x128xf32, #tpu.memory_space<vmem>> -> memref<1x128x128xf32, #tpu.memory_space<vmem>>
      %dma_wait3A_239 = tpu.memref_squeeze %dma_wait3A_238 : memref<1x128x128xf32, #tpu.memory_space<vmem>> -> memref<128x128xf32, #tpu.memory_space<vmem>>
      %dma_wait3A_240 = arith.constant 0 : i32
      %dma_wait3A_241 = tpu.memref_slice %arg5[%add3A_234, %dma_wait3A_240] : memref<50x128xi32, #tpu.memory_space<vmem>> -> memref<1x128xi32, #tpu.memory_space<vmem>>
      %dma_wait3A_242 = tpu.memref_squeeze %dma_wait3A_241 : memref<1x128xi32, #tpu.memory_space<vmem>> -> memref<128xi32, #tpu.memory_space<vmem>>
      %dma_wait3A_243 = arith.constant 0 : i32
      %dma_wait3A_244 = arith.constant 0 : i32
      %dma_wait3A_245 = tpu.memref_slice %arg2[%dma_wait3A_243, %dma_wait3A_244] : memref<100000x128xf32, #tpu.memory_space<hbm>> -> memref<100000x128xf32, #tpu.memory_space<hbm>>
      tpu.wait_indirect_dma semaphore(%arg9 : memref<!tpu.dma_semaphore, #tpu.memory_space<semaphore_mem>>) src(%dma_wait3A_245 : memref<100000x128xf32, #tpu.memory_space<hbm>>) dst(%dma_wait3A_239 : memref<128x128xf32, #tpu.memory_space<vmem>>)
      %add3A_246 = arith.constant 2 : i32
      %add3A_247 = arith.addi %mul3A_84, %add3A_246 : i32
      %mul3A_248 = arith.constant 128 : i32
      %mul3A_249 = arith.muli %add3A_247, %mul3A_248 : i32
      %add3A_250 = arith.addi %mul3A_2, %mul3A_249 : i32
      %dma_start3A_251 = arith.constant 2 : i32
      %dma_start3A_252 = arith.constant 0 : i32
      %dma_start3A_253 = arith.constant 0 : i32
      %dma_start3A_254 = tpu.memref_slice %arg6[%dma_start3A_251, %dma_start3A_252, %dma_start3A_253] : memref<5x128x128xf32, #tpu.memory_space<vmem>> -> memref<1x128x128xf32, #tpu.memory_space<vmem>>
      %dma_start3A_255 = tpu.memref_squeeze %dma_start3A_254 : memref<1x128x128xf32, #tpu.memory_space<vmem>> -> memref<128x128xf32, #tpu.memory_space<vmem>>
      %dma_start3A_256 = arith.constant 0 : i32
      %dma_start3A_257 = tpu.memref_slice %arg4[%add3A_250, %dma_start3A_256] : memref<204800x128xf32, #tpu.memory_space<hbm>> -> memref<128x128xf32, #tpu.memory_space<hbm>>
      %dma_start3A_258 = arith.constant 0 : i32
      %dma_start3A_259 = tpu.memref_slice %arg4[%add3A_250, %dma_start3A_258] : memref<204800x128xf32, #tpu.memory_space<hbm>> -> memref<128x128xf32, #tpu.memory_space<hbm>>
      %dma_start3A_260 = arith.constant 0 : i32
      %dma_start3A_261 = arith.constant 0 : i32
      %dma_start3A_262 = tpu.memref_slice %arg6[%dma_start3A_251, %dma_start3A_260, %dma_start3A_261] : memref<5x128x128xf32, #tpu.memory_space<vmem>> -> memref<1x128x128xf32, #tpu.memory_space<vmem>>
      %dma_start3A_263 = tpu.memref_squeeze %dma_start3A_262 : memref<1x128x128xf32, #tpu.memory_space<vmem>> -> memref<128x128xf32, #tpu.memory_space<vmem>>
      tpu.enqueue_dma source(%dma_start3A_263 : memref<128x128xf32, #tpu.memory_space<vmem>>) target(%dma_start3A_259 : memref<128x128xf32, #tpu.memory_space<hbm>>) target_semaphore(%arg14 : memref<!tpu.dma_semaphore, #tpu.memory_space<semaphore_mem>>)
      %add3A_264 = arith.constant 3 : i32
      %add3A_265 = arith.addi %mul3A_84, %add3A_264 : i32
      %dma_wait3A_266 = arith.constant 3 : i32
      %dma_wait3A_267 = arith.constant 0 : i32
      %dma_wait3A_268 = arith.constant 0 : i32
      %dma_wait3A_269 = tpu.memref_slice %arg6[%dma_wait3A_266, %dma_wait3A_267, %dma_wait3A_268] : memref<5x128x128xf32, #tpu.memory_space<vmem>> -> memref<1x128x128xf32, #tpu.memory_space<vmem>>
      %dma_wait3A_270 = tpu.memref_squeeze %dma_wait3A_269 : memref<1x128x128xf32, #tpu.memory_space<vmem>> -> memref<128x128xf32, #tpu.memory_space<vmem>>
      %dma_wait3A_271 = arith.constant 0 : i32
      %dma_wait3A_272 = tpu.memref_slice %arg5[%add3A_265, %dma_wait3A_271] : memref<50x128xi32, #tpu.memory_space<vmem>> -> memref<1x128xi32, #tpu.memory_space<vmem>>
      %dma_wait3A_273 = tpu.memref_squeeze %dma_wait3A_272 : memref<1x128xi32, #tpu.memory_space<vmem>> -> memref<128xi32, #tpu.memory_space<vmem>>
      %dma_wait3A_274 = arith.constant 0 : i32
      %dma_wait3A_275 = arith.constant 0 : i32
      %dma_wait3A_276 = tpu.memref_slice %arg2[%dma_wait3A_274, %dma_wait3A_275] : memref<100000x128xf32, #tpu.memory_space<hbm>> -> memref<100000x128xf32, #tpu.memory_space<hbm>>
      tpu.wait_indirect_dma semaphore(%arg10 : memref<!tpu.dma_semaphore, #tpu.memory_space<semaphore_mem>>) src(%dma_wait3A_276 : memref<100000x128xf32, #tpu.memory_space<hbm>>) dst(%dma_wait3A_270 : memref<128x128xf32, #tpu.memory_space<vmem>>)
      %add3A_277 = arith.constant 3 : i32
      %add3A_278 = arith.addi %mul3A_84, %add3A_277 : i32
      %mul3A_279 = arith.constant 128 : i32
      %mul3A_280 = arith.muli %add3A_278, %mul3A_279 : i32
      %add3A_281 = arith.addi %mul3A_2, %mul3A_280 : i32
      %dma_start3A_282 = arith.constant 3 : i32
      %dma_start3A_283 = arith.constant 0 : i32
      %dma_start3A_284 = arith.constant 0 : i32
      %dma_start3A_285 = tpu.memref_slice %arg6[%dma_start3A_282, %dma_start3A_283, %dma_start3A_284] : memref<5x128x128xf32, #tpu.memory_space<vmem>> -> memref<1x128x128xf32, #tpu.memory_space<vmem>>
      %dma_start3A_286 = tpu.memref_squeeze %dma_start3A_285 : memref<1x128x128xf32, #tpu.memory_space<vmem>> -> memref<128x128xf32, #tpu.memory_space<vmem>>
      %dma_start3A_287 = arith.constant 0 : i32
      %dma_start3A_288 = tpu.memref_slice %arg4[%add3A_281, %dma_start3A_287] : memref<204800x128xf32, #tpu.memory_space<hbm>> -> memref<128x128xf32, #tpu.memory_space<hbm>>
      %dma_start3A_289 = arith.constant 0 : i32
      %dma_start3A_290 = tpu.memref_slice %arg4[%add3A_281, %dma_start3A_289] : memref<204800x128xf32, #tpu.memory_space<hbm>> -> memref<128x128xf32, #tpu.memory_space<hbm>>
      %dma_start3A_291 = arith.constant 0 : i32
      %dma_start3A_292 = arith.constant 0 : i32
      %dma_start3A_293 = tpu.memref_slice %arg6[%dma_start3A_282, %dma_start3A_291, %dma_start3A_292] : memref<5x128x128xf32, #tpu.memory_space<vmem>> -> memref<1x128x128xf32, #tpu.memory_space<vmem>>
      %dma_start3A_294 = tpu.memref_squeeze %dma_start3A_293 : memref<1x128x128xf32, #tpu.memory_space<vmem>> -> memref<128x128xf32, #tpu.memory_space<vmem>>
      tpu.enqueue_dma source(%dma_start3A_294 : memref<128x128xf32, #tpu.memory_space<vmem>>) target(%dma_start3A_290 : memref<128x128xf32, #tpu.memory_space<hbm>>) target_semaphore(%arg15 : memref<!tpu.dma_semaphore, #tpu.memory_space<semaphore_mem>>)
      %add3A_295 = arith.constant 4 : i32
      %add3A_296 = arith.addi %mul3A_84, %add3A_295 : i32
      %dma_wait3A_297 = arith.constant 4 : i32
      %dma_wait3A_298 = arith.constant 0 : i32
      %dma_wait3A_299 = arith.constant 0 : i32
      %dma_wait3A_300 = tpu.memref_slice %arg6[%dma_wait3A_297, %dma_wait3A_298, %dma_wait3A_299] : memref<5x128x128xf32, #tpu.memory_space<vmem>> -> memref<1x128x128xf32, #tpu.memory_space<vmem>>
      %dma_wait3A_301 = tpu.memref_squeeze %dma_wait3A_300 : memref<1x128x128xf32, #tpu.memory_space<vmem>> -> memref<128x128xf32, #tpu.memory_space<vmem>>
      %dma_wait3A_302 = arith.constant 0 : i32
      %dma_wait3A_303 = tpu.memref_slice %arg5[%add3A_296, %dma_wait3A_302] : memref<50x128xi32, #tpu.memory_space<vmem>> -> memref<1x128xi32, #tpu.memory_space<vmem>>
      %dma_wait3A_304 = tpu.memref_squeeze %dma_wait3A_303 : memref<1x128xi32, #tpu.memory_space<vmem>> -> memref<128xi32, #tpu.memory_space<vmem>>
      %dma_wait3A_305 = arith.constant 0 : i32
      %dma_wait3A_306 = arith.constant 0 : i32
      %dma_wait3A_307 = tpu.memref_slice %arg2[%dma_wait3A_305, %dma_wait3A_306] : memref<100000x128xf32, #tpu.memory_space<hbm>> -> memref<100000x128xf32, #tpu.memory_space<hbm>>
      tpu.wait_indirect_dma semaphore(%arg11 : memref<!tpu.dma_semaphore, #tpu.memory_space<semaphore_mem>>) src(%dma_wait3A_307 : memref<100000x128xf32, #tpu.memory_space<hbm>>) dst(%dma_wait3A_301 : memref<128x128xf32, #tpu.memory_space<vmem>>)
      %add3A_308 = arith.constant 4 : i32
      %add3A_309 = arith.addi %mul3A_84, %add3A_308 : i32
      %mul3A_310 = arith.constant 128 : i32
      %mul3A_311 = arith.muli %add3A_309, %mul3A_310 : i32
      %add3A_312 = arith.addi %mul3A_2, %mul3A_311 : i32
      %dma_start3A_313 = arith.constant 4 : i32
      %dma_start3A_314 = arith.constant 0 : i32
      %dma_start3A_315 = arith.constant 0 : i32
      %dma_start3A_316 = tpu.memref_slice %arg6[%dma_start3A_313, %dma_start3A_314, %dma_start3A_315] : memref<5x128x128xf32, #tpu.memory_space<vmem>> -> memref<1x128x128xf32, #tpu.memory_space<vmem>>
      %dma_start3A_317 = tpu.memref_squeeze %dma_start3A_316 : memref<1x128x128xf32, #tpu.memory_space<vmem>> -> memref<128x128xf32, #tpu.memory_space<vmem>>
      %dma_start3A_318 = arith.constant 0 : i32
      %dma_start3A_319 = tpu.memref_slice %arg4[%add3A_312, %dma_start3A_318] : memref<204800x128xf32, #tpu.memory_space<hbm>> -> memref<128x128xf32, #tpu.memory_space<hbm>>
      %dma_start3A_320 = arith.constant 0 : i32
      %dma_start3A_321 = tpu.memref_slice %arg4[%add3A_312, %dma_start3A_320] : memref<204800x128xf32, #tpu.memory_space<hbm>> -> memref<128x128xf32, #tpu.memory_space<hbm>>
      %dma_start3A_322 = arith.constant 0 : i32
      %dma_start3A_323 = arith.constant 0 : i32
      %dma_start3A_324 = tpu.memref_slice %arg6[%dma_start3A_313, %dma_start3A_322, %dma_start3A_323] : memref<5x128x128xf32, #tpu.memory_space<vmem>> -> memref<1x128x128xf32, #tpu.memory_space<vmem>>
      %dma_start3A_325 = tpu.memref_squeeze %dma_start3A_324 : memref<1x128x128xf32, #tpu.memory_space<vmem>> -> memref<128x128xf32, #tpu.memory_space<vmem>>
      tpu.enqueue_dma source(%dma_start3A_325 : memref<128x128xf32, #tpu.memory_space<vmem>>) target(%dma_start3A_321 : memref<128x128xf32, #tpu.memory_space<hbm>>) target_semaphore(%arg16 : memref<!tpu.dma_semaphore, #tpu.memory_space<semaphore_mem>>)
    }
    %scan3A_7 = arith.constant 10 : i32
    %add3A_8 = arith.constant 5760 : i32
    %add3A_9 = arith.addi %mul3A_2, %add3A_8 : i32
    %dma_wait3A = arith.constant 0 : i32
    %dma_wait3A_10 = arith.constant 0 : i32
    %dma_wait3A_11 = arith.constant 0 : i32
    %dma_wait3A_12 = tpu.memref_slice %arg6[%dma_wait3A, %dma_wait3A_10, %dma_wait3A_11] : memref<5x128x128xf32, #tpu.memory_space<vmem>> -> memref<1x128x128xf32, #tpu.memory_space<vmem>>
    %dma_wait3A_13 = tpu.memref_squeeze %dma_wait3A_12 : memref<1x128x128xf32, #tpu.memory_space<vmem>> -> memref<128x128xf32, #tpu.memory_space<vmem>>
    %dma_wait3A_14 = arith.constant 0 : i32
    %dma_wait3A_15 = tpu.memref_slice %arg4[%add3A_9, %dma_wait3A_14] : memref<204800x128xf32, #tpu.memory_space<hbm>> -> memref<128x128xf32, #tpu.memory_space<hbm>>
    %dma_wait3A_16 = arith.constant 0 : i32
    %dma_wait3A_17 = tpu.memref_slice %arg4[%add3A_9, %dma_wait3A_16] : memref<204800x128xf32, #tpu.memory_space<hbm>> -> memref<128x128xf32, #tpu.memory_space<hbm>>
    %dma_wait3A_18 = arith.constant 0 : i32
    %dma_wait3A_19 = arith.constant 0 : i32
    %dma_wait3A_20 = tpu.memref_slice %arg6[%dma_wait3A, %dma_wait3A_18, %dma_wait3A_19] : memref<5x128x128xf32, #tpu.memory_space<vmem>> -> memref<1x128x128xf32, #tpu.memory_space<vmem>>
    %dma_wait3A_21 = tpu.memref_squeeze %dma_wait3A_20 : memref<1x128x128xf32, #tpu.memory_space<vmem>> -> memref<128x128xf32, #tpu.memory_space<vmem>>
    tpu.wait_dma2 semaphore(%arg12 : memref<!tpu.dma_semaphore, #tpu.memory_space<semaphore_mem>>) src(%dma_wait3A_21 : memref<128x128xf32, #tpu.memory_space<vmem>>) dst(%dma_wait3A_17 : memref<128x128xf32, #tpu.memory_space<hbm>>)
    %add3A_22 = arith.constant 5888 : i32
    %add3A_23 = arith.addi %mul3A_2, %add3A_22 : i32
    %dma_wait3A_24 = arith.constant 1 : i32
    %dma_wait3A_25 = arith.constant 0 : i32
    %dma_wait3A_26 = arith.constant 0 : i32
    %dma_wait3A_27 = tpu.memref_slice %arg6[%dma_wait3A_24, %dma_wait3A_25, %dma_wait3A_26] : memref<5x128x128xf32, #tpu.memory_space<vmem>> -> memref<1x128x128xf32, #tpu.memory_space<vmem>>
    %dma_wait3A_28 = tpu.memref_squeeze %dma_wait3A_27 : memref<1x128x128xf32, #tpu.memory_space<vmem>> -> memref<128x128xf32, #tpu.memory_space<vmem>>
    %dma_wait3A_29 = arith.constant 0 : i32
    %dma_wait3A_30 = tpu.memref_slice %arg4[%add3A_23, %dma_wait3A_29] : memref<204800x128xf32, #tpu.memory_space<hbm>> -> memref<128x128xf32, #tpu.memory_space<hbm>>
    %dma_wait3A_31 = arith.constant 0 : i32
    %dma_wait3A_32 = tpu.memref_slice %arg4[%add3A_23, %dma_wait3A_31] : memref<204800x128xf32, #tpu.memory_space<hbm>> -> memref<128x128xf32, #tpu.memory_space<hbm>>
    %dma_wait3A_33 = arith.constant 0 : i32
    %dma_wait3A_34 = arith.constant 0 : i32
    %dma_wait3A_35 = tpu.memref_slice %arg6[%dma_wait3A_24, %dma_wait3A_33, %dma_wait3A_34] : memref<5x128x128xf32, #tpu.memory_space<vmem>> -> memref<1x128x128xf32, #tpu.memory_space<vmem>>
    %dma_wait3A_36 = tpu.memref_squeeze %dma_wait3A_35 : memref<1x128x128xf32, #tpu.memory_space<vmem>> -> memref<128x128xf32, #tpu.memory_space<vmem>>
    tpu.wait_dma2 semaphore(%arg13 : memref<!tpu.dma_semaphore, #tpu.memory_space<semaphore_mem>>) src(%dma_wait3A_36 : memref<128x128xf32, #tpu.memory_space<vmem>>) dst(%dma_wait3A_32 : memref<128x128xf32, #tpu.memory_space<hbm>>)
    %add3A_37 = arith.constant 6016 : i32
    %add3A_38 = arith.addi %mul3A_2, %add3A_37 : i32
    %dma_wait3A_39 = arith.constant 2 : i32
    %dma_wait3A_40 = arith.constant 0 : i32
    %dma_wait3A_41 = arith.constant 0 : i32
    %dma_wait3A_42 = tpu.memref_slice %arg6[%dma_wait3A_39, %dma_wait3A_40, %dma_wait3A_41] : memref<5x128x128xf32, #tpu.memory_space<vmem>> -> memref<1x128x128xf32, #tpu.memory_space<vmem>>
    %dma_wait3A_43 = tpu.memref_squeeze %dma_wait3A_42 : memref<1x128x128xf32, #tpu.memory_space<vmem>> -> memref<128x128xf32, #tpu.memory_space<vmem>>
    %dma_wait3A_44 = arith.constant 0 : i32
    %dma_wait3A_45 = tpu.memref_slice %arg4[%add3A_38, %dma_wait3A_44] : memref<204800x128xf32, #tpu.memory_space<hbm>> -> memref<128x128xf32, #tpu.memory_space<hbm>>
    %dma_wait3A_46 = arith.constant 0 : i32
    %dma_wait3A_47 = tpu.memref_slice %arg4[%add3A_38, %dma_wait3A_46] : memref<204800x128xf32, #tpu.memory_space<hbm>> -> memref<128x128xf32, #tpu.memory_space<hbm>>
    %dma_wait3A_48 = arith.constant 0 : i32
    %dma_wait3A_49 = arith.constant 0 : i32
    %dma_wait3A_50 = tpu.memref_slice %arg6[%dma_wait3A_39, %dma_wait3A_48, %dma_wait3A_49] : memref<5x128x128xf32, #tpu.memory_space<vmem>> -> memref<1x128x128xf32, #tpu.memory_space<vmem>>
    %dma_wait3A_51 = tpu.memref_squeeze %dma_wait3A_50 : memref<1x128x128xf32, #tpu.memory_space<vmem>> -> memref<128x128xf32, #tpu.memory_space<vmem>>
    tpu.wait_dma2 semaphore(%arg14 : memref<!tpu.dma_semaphore, #tpu.memory_space<semaphore_mem>>) src(%dma_wait3A_51 : memref<128x128xf32, #tpu.memory_space<vmem>>) dst(%dma_wait3A_47 : memref<128x128xf32, #tpu.memory_space<hbm>>)
    %add3A_52 = arith.constant 6144 : i32
    %add3A_53 = arith.addi %mul3A_2, %add3A_52 : i32
    %dma_wait3A_54 = arith.constant 3 : i32
    %dma_wait3A_55 = arith.constant 0 : i32
    %dma_wait3A_56 = arith.constant 0 : i32
    %dma_wait3A_57 = tpu.memref_slice %arg6[%dma_wait3A_54, %dma_wait3A_55, %dma_wait3A_56] : memref<5x128x128xf32, #tpu.memory_space<vmem>> -> memref<1x128x128xf32, #tpu.memory_space<vmem>>
    %dma_wait3A_58 = tpu.memref_squeeze %dma_wait3A_57 : memref<1x128x128xf32, #tpu.memory_space<vmem>> -> memref<128x128xf32, #tpu.memory_space<vmem>>
    %dma_wait3A_59 = arith.constant 0 : i32
    %dma_wait3A_60 = tpu.memref_slice %arg4[%add3A_53, %dma_wait3A_59] : memref<204800x128xf32, #tpu.memory_space<hbm>> -> memref<128x128xf32, #tpu.memory_space<hbm>>
    %dma_wait3A_61 = arith.constant 0 : i32
    %dma_wait3A_62 = tpu.memref_slice %arg4[%add3A_53, %dma_wait3A_61] : memref<204800x128xf32, #tpu.memory_space<hbm>> -> memref<128x128xf32, #tpu.memory_space<hbm>>
    %dma_wait3A_63 = arith.constant 0 : i32
    %dma_wait3A_64 = arith.constant 0 : i32
    %dma_wait3A_65 = tpu.memref_slice %arg6[%dma_wait3A_54, %dma_wait3A_63, %dma_wait3A_64] : memref<5x128x128xf32, #tpu.memory_space<vmem>> -> memref<1x128x128xf32, #tpu.memory_space<vmem>>
    %dma_wait3A_66 = tpu.memref_squeeze %dma_wait3A_65 : memref<1x128x128xf32, #tpu.memory_space<vmem>> -> memref<128x128xf32, #tpu.memory_space<vmem>>
    tpu.wait_dma2 semaphore(%arg15 : memref<!tpu.dma_semaphore, #tpu.memory_space<semaphore_mem>>) src(%dma_wait3A_66 : memref<128x128xf32, #tpu.memory_space<vmem>>) dst(%dma_wait3A_62 : memref<128x128xf32, #tpu.memory_space<hbm>>)
    %add3A_67 = arith.constant 6272 : i32
    %add3A_68 = arith.addi %mul3A_2, %add3A_67 : i32
    %dma_wait3A_69 = arith.constant 4 : i32
    %dma_wait3A_70 = arith.constant 0 : i32
    %dma_wait3A_71 = arith.constant 0 : i32
    %dma_wait3A_72 = tpu.memref_slice %arg6[%dma_wait3A_69, %dma_wait3A_70, %dma_wait3A_71] : memref<5x128x128xf32, #tpu.memory_space<vmem>> -> memref<1x128x128xf32, #tpu.memory_space<vmem>>
    %dma_wait3A_73 = tpu.memref_squeeze %dma_wait3A_72 : memref<1x128x128xf32, #tpu.memory_space<vmem>> -> memref<128x128xf32, #tpu.memory_space<vmem>>
    %dma_wait3A_74 = arith.constant 0 : i32
    %dma_wait3A_75 = tpu.memref_slice %arg4[%add3A_68, %dma_wait3A_74] : memref<204800x128xf32, #tpu.memory_space<hbm>> -> memref<128x128xf32, #tpu.memory_space<hbm>>
    %dma_wait3A_76 = arith.constant 0 : i32
    %dma_wait3A_77 = tpu.memref_slice %arg4[%add3A_68, %dma_wait3A_76] : memref<204800x128xf32, #tpu.memory_space<hbm>> -> memref<128x128xf32, #tpu.memory_space<hbm>>
    %dma_wait3A_78 = arith.constant 0 : i32
    %dma_wait3A_79 = arith.constant 0 : i32
    %dma_wait3A_80 = tpu.memref_slice %arg6[%dma_wait3A_69, %dma_wait3A_78, %dma_wait3A_79] : memref<5x128x128xf32, #tpu.memory_space<vmem>> -> memref<1x128x128xf32, #tpu.memory_space<vmem>>
    %dma_wait3A_81 = tpu.memref_squeeze %dma_wait3A_80 : memref<1x128x128xf32, #tpu.memory_space<vmem>> -> memref<128x128xf32, #tpu.memory_space<vmem>>
    tpu.wait_dma2 semaphore(%arg16 : memref<!tpu.dma_semaphore, #tpu.memory_space<semaphore_mem>>) src(%dma_wait3A_81 : memref<128x128xf32, #tpu.memory_space<vmem>>) dst(%dma_wait3A_77 : memref<128x128xf32, #tpu.memory_space<hbm>>)
    return
  }
}

module attributes {stable_mosaic.version = 14 : i64} {
  func.func @_proj_body(%arg0: i32, %arg1: memref<300x4096xf32, #tpu.memory_space<vmem>>, %arg2: memref<64x4096xf32, #tpu.memory_space<vmem>>, %arg3: memref<364x128xf32, #tpu.memory_space<vmem>>, %arg4: memref<1x128xf32, #tpu.memory_space<vmem>>, %arg5: memref<4096x128xf32, #tpu.memory_space<vmem>>) attributes {dimension_semantics = [#tpu.dimension_semantics<arbitrary>], iteration_bounds = array<i64: 25>, scalar_prefetch = 0 : i64, scratch_operands = 0 : i64, tpu.core_type = #tpu.core_type<tc>, window_params = [{transform_indices = @transform_0, window_bounds = array<i64: 300, 4096>}, {transform_indices = @transform_1, window_bounds = array<i64: 64, 4096>}, {pipeline_mode = #tpu.pipeline_mode<synchronous>, transform_indices = @transform_2, window_bounds = array<i64: 364, 128>}, {pipeline_mode = #tpu.pipeline_mode<synchronous>, transform_indices = @transform_3, window_bounds = array<i64: 1, 128>}, {transform_indices = @transform_4, window_bounds = array<i64: 4096, 128>}]} {
    %get3A = arith.constant 0 : index
    %get3A_0 = arith.constant 0 : index
    %get3A_1 = vector.load %arg1[%get3A, %get3A_0] : memref<300x4096xf32, #tpu.memory_space<vmem>>, vector<300x4096xf32>
    %get3A_2 = arith.constant 0 : index
    %get3A_3 = arith.constant 0 : index
    %get3A_4 = vector.load %arg3[%get3A_2, %get3A_3] : memref<364x128xf32, #tpu.memory_space<vmem>>, vector<300x128xf32>
    %dot_general3A = arith.constant dense<0.000000e+00> : vector<4096x128xf32>
    %dot_general3A_5 = tpu.matmul %get3A_1, %get3A_4, %dot_general3A {dimension_numbers = #tpu.dot_dimension_numbers<[0], [0], [1], [1], [0, 1, 1, 1], [], []>, transpose_lhs_hint = false} : vector<300x4096xf32>, vector<300x128xf32>, vector<4096x128xf32> -> vector<4096x128xf32>
    %get3A_6 = arith.constant 0 : index
    %get3A_7 = arith.constant 0 : index
    %get3A_8 = vector.load %arg2[%get3A_6, %get3A_7] : memref<64x4096xf32, #tpu.memory_space<vmem>>, vector<64x4096xf32>
    %get3A_9 = arith.constant 300 : index
    %get3A_10 = arith.constant 0 : index
    %get3A_11 = vector.load %arg3[%get3A_9, %get3A_10] : memref<364x128xf32, #tpu.memory_space<vmem>>, vector<64x128xf32>
    %dot_general3A_12 = arith.constant dense<0.000000e+00> : vector<4096x128xf32>
    %dot_general3A_13 = tpu.matmul %get3A_8, %get3A_11, %dot_general3A_12 {dimension_numbers = #tpu.dot_dimension_numbers<[0], [0], [1], [1], [0, 1, 1, 1], [], []>, transpose_lhs_hint = false} : vector<64x4096xf32>, vector<64x128xf32>, vector<4096x128xf32> -> vector<4096x128xf32>
    %add3A = arith.addf %dot_general3A_5, %dot_general3A_13 : vector<4096x128xf32>
    %get3A_14 = arith.constant 0 : index
    %get3A_15 = arith.constant 0 : index
    %get3A_16 = vector.load %arg4[%get3A_14, %get3A_15] : memref<1x128xf32, #tpu.memory_space<vmem>>, vector<1x128xf32>
    %add3A_17 = vector.broadcast %get3A_16 : vector<1x128xf32> to vector<4096x128xf32>
    %add3A_18 = arith.addf %add3A, %add3A_17 : vector<4096x128xf32>
    %swap3A = arith.constant 0 : index
    %swap3A_19 = arith.constant 0 : index
    %swap3A_20 = vector.load %arg5[%swap3A, %swap3A_19] : memref<4096x128xf32, #tpu.memory_space<vmem>>, vector<4096x128xf32>
    tpu.vector_store %arg5[%swap3A, %swap3A_19], %add3A_18 {strides = array<i32>} : memref<4096x128xf32, #tpu.memory_space<vmem>>, vector<4096x128xf32>,
    return
  }
  func.func @transform_0(%arg0: i32) -> (i32, i32) {
    %c0_i32 = arith.constant 0 : i32
    %c0_i32_0 = arith.constant 0 : i32
    return %c0_i32, %arg0 : i32, i32
  }
  func.func @transform_1(%arg0: i32) -> (i32, i32) {
    %c0_i32 = arith.constant 0 : i32
    %c0_i32_0 = arith.constant 0 : i32
    return %c0_i32, %arg0 : i32, i32
  }
  func.func @transform_2(%arg0: i32) -> (i32, i32) {
    %c0_i32 = arith.constant 0 : i32
    %c0_i32_0 = arith.constant 0 : i32
    %c0_i32_1 = arith.constant 0 : i32
    return %c0_i32, %c0_i32_0 : i32, i32
  }
  func.func @transform_3(%arg0: i32) -> (i32, i32) {
    %c0_i32 = arith.constant 0 : i32
    %c0_i32_0 = arith.constant 0 : i32
    %c0_i32_1 = arith.constant 0 : i32
    return %c0_i32, %c0_i32_0 : i32, i32
  }
  func.func @transform_4(%arg0: i32) -> (i32, i32) {
    %c0_i32 = arith.constant 0 : i32
    %c0_i32_0 = arith.constant 0 : i32
    return %arg0, %c0_i32 : i32, i32
  }
}

</mosaic_0001>

<sc_bundles>
// kernel: kernel.4.cloned.1.call-start
scs
__scs_entry_jumppad:
0x0: {  	(pc) =	sbr.rel $0x88, $3  }
0x1: {  	(tag) =	ssettag $0x0;
	lr =	simm.s32 $0x1  }
0x2: {  	[smem:$0x3F9C] =	sst lr;
	_ =	strace $0xD0000000  }
0x3: {  	_ = 	snop  }
0x4: {  	_ = 	snop  }
0x5: {  	_ = 	snop  }
0x6: {  	_ = 	snop  }
0x7: {  	_ = 	snop  }
__scs_overlays_trampoline_lowered:
0x8: {  	[smem:$0x3FAB] =	sst s0  }
0x9: {  	[smem:$0x3FAC] =	sst s1  }
0xa: {  	[smem:$0x3FAD] =	sst s2  }
0xb: {  	[smem:$0x3FAE] =	sst s3  }
0xc: {  	[smem:$0x3FAF] =	sst s4  }
0xd: {  	[smem:$0x3FB0] =	sst s5  }
0xe: {  	[smem:$0x3FB1] =	sst s6  }
0xf: {  	[smem:$0x3FB2] =	sst s7  }
0x10: {  	[smem:$0x3FB3] =	sst s8  }
0x11: {  	[smem:$0x3FB4] =	sst s9;
	s0 =	simm.s32 @!p0 $0x0  }
0x12: {  	s1 =	sld [smem:$0x3F9A];
	s0 =	simm.s32 @p0 $0x1  }
0x13: {  	[smem:$0x3FB5] =	sst s0;
	s0 =	simm.s32 @!p1 $0x0  }
0x14: {  	s2 =	sld [smem:$0x3F99];
	s0 =	simm.s32 @p1 $0x1  }
0x15: {  	[smem:$0x3FB6] =	sst s0;
	s0 =	simm.s32 @!p2 $0x0  }
0x16: {  	s3 =	sld [smem:$0x3FDB];
	s0 =	simm.s32 @p2 $0x1  }
0x17: {  	s4 =	simm.s32 $0x1BF5;
	[smem:$0x3FB8] =	sst s0  }
0x18: {  	s0 =	sld [smem:$0x3F9B];
	_ =	swait.ge [sflag:s4], $0x0  }
0x19: {  	s7 =	sld [smem:$0x3F9C]  }
0x1a: {  	s8 =	sadd.s32 $0xFFFFE003, lr  }
0x1b: {  	s9 =	sadd.s32 $0xFFFFFEF7, lr;
	s5 =	simm.s32 $0xFFFFFFFF;
	p2 =	slt.u32 s8, $0xFFFFF086  }
0x1c: {  	p1 =	slt.u32 s9, $0xF7A;
	s5 =	simm.s32 @!p2 $0x0  }
0x1d: {  	s5 =	simm.s32 @p1 $0x1;
	p0 =	seq.s32 s7, s2  }
0x1e: {  	s7 =	smul.u32 @!p0 $0xF7A, s2;
	p2 =	seq.s32 @!p0 s5, $0x0  }
0x1f: {  	s9 =	smul.u32 $0xF7A, s1;
	s8 =	simm.s32 @!p0 $0x1BF5;
	p2 =	por !p2, p0  }
0x20: {  	[sflag:s8] =	ssyncset.s32 @!p0 $0xFFFFF086;
	s6 =	sadd.s32 @!p0 s3, s7;
	s7 =	simm.s32 @!p0 $0x108  }
0x21: {  	s3 =	sadd.s32 s3, s9;
	s6 =	sadd.s32 @!p0 $0x88, s6;
	s7 =	simm.s32 @p2 $0x1082  }
0x22: {  	[simem:s7], [sflag:s8] =	dma.local @!p0 [hbm:s6], $0xF7A  }
0x23: {  	s9 =	sor.u32 $0xD0000000, s2;
	s6 =	simm.s32 $0x108;
	_ =	swait.ge @!p0 [sflag:s8], $0x0  }
0x24: {  	s3 =	sadd.s32 $0x88, s3;
	s6 =	simm.s32 @!p1 $0x1082;
	[sflag:s4] =	ssyncset.s32 $0xFFFFF086  }
0x25: {  	[simem:s6], [sflag:s4] =	dma.local [hbm:s3], $0xF7A  }
0x26: {  	[smem:$0x3F9C] =	sst s1;
	(tag) =	ssettag s2;
	_ =	strace s9  }
0x27: {  	s1 =	sld [smem:$0x3FAC]  }
0x28: {  	s2 =	sld [smem:$0x3FAD]  }
0x29: {  	s4 =	sld [smem:$0x3FAF]  }
0x2a: {  	p0 =	seq.s32 s5, $0x0;
	s5 =	sld [smem:$0x3FB0]  }
0x2b: {  	s6 =	sld [smem:$0x3FB1]  }
0x2c: {  	s7 =	sld [smem:$0x3FB2]  }
0x2d: {  	s3 =	simm.s32 $0x108;
	s8 =	sld [smem:$0x3FB3]  }
0x2e: {  	s3 =	simm.s32 @!p0 $0x1082;
	s9 =	sld [smem:$0x3FB4]  }
0x2f: {  	lr =	sadd.s32 s0, s3;
	s0 =	sld [smem:$0x3FAB]  }
0x30: {  	s3 =	sld [smem:$0x3FAE]  }
0x31: {  	[smem:$0x3FB7] =	sst s10  }
0x32: {  	s10 =	sld [smem:$0x3FB5];
	_ =	sdelay $0x3  }
0x33: {  	p0 =	seq.s32 s10, $0x1;
	s10 =	sld [smem:$0x3FB7];
	_ =	sdelay $0x3  }
0x34: {  	[smem:$0x3FB7] =	sst s10  }
0x35: {  	s10 =	sld [smem:$0x3FB6];
	_ =	sdelay $0x3  }
0x36: {  	p1 =	seq.s32 s10, $0x1;
	s10 =	sld [smem:$0x3FB7];
	_ =	sdelay $0x3  }
0x37: {  	[smem:$0x3FB7] =	sst s10  }
0x38: {  	s10 =	sld [smem:$0x3FB8]  }
0x39: {  	_ = 	snop;
	(pc) =	sbr.ind lr, $3  }
0x3a: {  	_ = 	snop  }
0x3b: {  	_ = 	snop  }
0x3c: {  	p2 =	seq.s32 s10, $0x1;
	s10 =	sld [smem:$0x3FB7]  }
0x3d: {  	_ =	shalt  }
0x3e: {  	_ =	shalt  }
0x3f: {  	_ =	shalt  }
0x40: {  	_ =	shalt  }
0x41: {  	_ =	shalt  }
0x42: {  	_ =	shalt  }
0x43: {  	_ =	shalt  }
0x44: {  	_ =	shalt  }
0x45: {  	_ =	shalt  }
0x46: {  	_ =	shalt  }
0x47: {  	_ =	shalt  }
0x48: {  	_ =	shalt  }
0x49: {  	_ =	shalt  }
0x4a: {  	_ =	shalt  }
0x4b: {  	_ =	shalt  }
0x4c: {  	_ =	shalt  }
0x4d: {  	_ =	shalt  }
0x4e: {  	_ =	shalt  }
0x4f: {  	_ =	shalt  }
0x50: {  	_ =	shalt  }
0x51: {  	_ =	shalt  }
0x52: {  	_ =	shalt  }
0x53: {  	_ =	shalt  }
0x54: {  	_ =	shalt  }
0x55: {  	_ =	shalt  }
0x56: {  	_ =	shalt  }
0x57: {  	_ =	shalt  }
0x58: {  	_ =	shalt  }
0x59: {  	_ =	shalt  }
0x5a: {  	_ =	shalt  }
0x5b: {  	_ =	shalt  }
0x5c: {  	_ =	shalt  }
0x5d: {  	_ =	shalt  }
0x5e: {  	_ =	shalt  }
0x5f: {  	_ =	shalt  }
0x60: {  	_ =	shalt  }
0x61: {  	_ =	shalt  }
0x62: {  	_ =	shalt  }
0x63: {  	_ =	shalt  }
0x64: {  	_ =	shalt  }
0x65: {  	_ =	shalt  }
0x66: {  	_ =	shalt  }
0x67: {  	_ =	shalt  }
0x68: {  	_ =	shalt  }
0x69: {  	_ =	shalt  }
0x6a: {  	_ =	shalt  }
0x6b: {  	_ =	shalt  }
0x6c: {  	_ =	shalt  }
0x6d: {  	_ =	shalt  }
0x6e: {  	_ =	shalt  }
0x6f: {  	_ =	shalt  }
0x70: {  	_ =	shalt  }
0x71: {  	_ =	shalt  }
0x72: {  	_ =	shalt  }
0x73: {  	_ =	shalt  }
0x74: {  	_ =	shalt  }
0x75: {  	_ =	shalt  }
0x76: {  	_ =	shalt  }
0x77: {  	_ =	shalt  }
0x78: {  	_ =	shalt  }
0x79: {  	_ =	shalt  }
0x7a: {  	_ =	shalt  }
0x7b: {  	_ =	shalt  }
0x7c: {  	_ =	shalt  }
0x7d: {  	_ =	shalt  }
0x7e: {  	_ =	shalt  }
0x7f: {  	_ =	shalt  }
0x80: {  	_ =	shalt  }
0x81: {  	_ =	shalt  }
0x82: {  	_ =	shalt  }
0x83: {  	_ =	shalt  }
0x84: {  	_ =	shalt  }
0x85: {  	_ =	shalt  }
0x86: {  	_ =	shalt  }
0x87: {  	_ =	shalt  }
.Lfunc_end0:
.L_simem_size_0:
called_computation_lowered:
.L_overlay_start_0:
0x88: {  	s2 =	sld [smem:$0x3FD9]  }
0x89: {  	s3 =	sld [smem:$0x3FFE];
	_ =	sdelay $0x1  }
0x8a: {  	s1 =	srdreg.scid  }
0x8b: {  	s0 =	sand.u32 $0x1, s1  }
0x8c: {  	s17 =	sshll.u32 s0, $0xA;
	s2 =	sadd.s32 s3, s2  }
0x8d: {  	s2 =	sadd.s32 s2, s17  }
0x8e: {  	[smem:$0x3FC3] =	sst s2  }
0x8f: {  	_ = 	snop  }
0x90: {  	s2 =	sld [smem:$0x3FD0];
	(tm) =	ssettm $0x1  }
0x91: {  	s18 =	sld [smem:$0x3FFB];
	_ =	sdelay $0x3  }
0x92: {  	_ =	strace s18  }
0x93: {  	s3 =	sld [smem:$0x3FFC];
	_ =	sdelay $0x3  }
0x94: {  	_ =	strace s3  }
0x95: {  	s3 =	sld [smem:$0x3FFD];
	_ =	sdelay $0x3  }
0x96: {  	_ =	strace s3  }
0x97: {  	_ =	strace $0x8FFFFFFF  }
0x98: {  	s19 =	sld [smem:$0x3FDB];
	_ =	sdelay $0x1  }
0x99: {  	s4 =	simm.s32 $_scs_section_size  }
0x9a: {  	s5 =	simm.s32 $_size__tile_overlayer_lowered;
	s6 =	simm.s32 $_tile_overlayer_lowered  }
0x9b: {  	s22 =	simm.s32 $0x1BFF;
	s21 =	sshll.u32 s6, $0x1;
	s3 =	sadd.s32 s4, s19  }
0x9c: {  	s7 =	simm.s32 $0x0;
	s20 =	sshll.u32 s5, $0x1;
	s5 =	sadd.s32 s21, s3  }
0x9d: {  	[timem:s7], [sflag:s22] =	dma.local [hbm:s5], s20  }
0x9e: {  	_ =	swait.ge [sflag:s22], s20  }
0x9f: {  	s4 =	ssub.s32 $0x0, s20;
	[sflag:s22] =	ssyncset.done $0x0  }
0xa0: {  	[sflag:s22] =	ssyncadd.s32 s4;
	_ =	sdelay $0x1  }
0xa1: {  	s23 =	simm.s32 $0x1B8B  }
0xa2: {  	_ =	swait.ge [sflag:s23], $0x1  }
0xa3: {  	[sflag:s23] =	ssyncset.done $0x0  }
0xa4: {  	s25 =	simm.s32 $0x1B8E;
	s24 =	sld [smem:$0x3FFE];
	[sflag:s23] =	ssyncadd.s32 $0xFFFFFFFF  }
0xa5: {  	s26 =	simm.s32 $execute0_lowered;
	[smem:$0x3FD2] =	sst s25  }
0xa6: {  	s5 =	sshll.u32 s26, $0x1;
	_ =	strace $0x80000046;
	[dreg:$0x1] =	wrdreg $0xFFFFFFFF  }
0xa7: {  	s28 =	simm.s32 $_size_execute0_lowered;
	s3 =	sadd.s32 s3, s5;
	[dreg:$0x0] =	wrdreg $0x0  }
0xa8: {  	s5 =	sshll.u32 s28, $0x1;
	[dreg:$0x2] =	wrdreg s3  }
0xa9: {  	[dreg:$0x3] =	wrdreg s5  }
0xaa: {  	[dreg:$0x4] =	wrdreg $0xC0  }
0xab: {  	_ =	task [dreg:s7], $0x5FFFF  }
0xac: {  	[dreg:$0x1] =	wrdreg $0xFFFFFFFF  }
0xad: {  	[dreg:$0x0] =	wrdreg $0x60  }
0xae: {  	[dreg:$0x2] =	wrdreg s24  }
0xaf: {  	[dreg:$0x3] =	wrdreg s2  }
0xb0: {  	[dreg:$0x4] =	wrdreg $0x9  }
0xb1: {  	_ =	task.clear_ibuf [dreg:s7], $0x5FFFF;
	_ =	strace $0x90000046  }
0xb2: {  	s29 =	simm.s32 $0x9;
	_ =	strace $0x80000048  }
0xb3: {  	_ =	swait.ge [sflag:s29], $0x1  }
0xb4: {  	[sflag:s29] =	ssyncadd.s32 $0xFFFFFFFF  }
0xb5: {  	_ =	strace $0x90000048  }
0xb6: {  	_ =	sfence  }
0xb7: {  	s30 =	sld [smem:$0x0];
	_ =	sdelay $0x2  }
0xb8: {  	s31 =	sshll.u32 s1, $0xD;
	s1 =	sshrl.u32 s1, $0x2  }
0xb9: {  	s3 =	sand.u32 $0x4000, s31;
	s1 =	sadd.s32 s1, s30  }
0xba: {  	s0 =	sor.u32 s3, s0;
	s1 =	sshll.u32 s1, $0x11  }
0xbb: {  	s0 =	sor.u32 s1, s0  }
0xbc: {  	s0 =	sadd.s32 $0x8F2B, s0  }
0xbd: {  	[sflag:s0] =	ssyncadd.remote.s32 $0x1  }
0xbe: {  	_ =	sfence.sel $0xFFFF  }
0xbf: {  	[dreg:$0x0] =	wrdreg $0xFFFFFFFF;
	(pc) =	sbr.abs _section_cstart, $3  }
0xc0: {  	[dreg:$0x1] =	wrdreg $0xFFFFFFFF  }
0xc1: {  	_ =	task.clear_ibuf [dreg:s7], $0x2FFFF;
	_ =	strace $0x9FFFFFFF  }
0xc2: {  	(tm) =	ssettm $0x7FFFFFFF  }
0xc3: {  	_ =	shalt  }
tec
execute0_lowered:
.L_overlay_start_1:
0x0: {  	(tag) =	ssettag $0x1  }
0x1: {  	s5 =	rddreg [dreg:$0x0];
	s1 =	srdreg.scid  }
0x2: {  	s0 =	stileid.u32;
	s2 =	rddreg [dreg:$0x1];
	s3 =	simm.s32 $0x0  }
0x3: {  	s9 =	simm.s32 $0x80;
	s11 =	simm.s32 $0x1C00;
	s10 =	simm.s32 $0x1  }
0x4: {  	s12 =	simm.s32 $0x5C00;
	s13 =	simm.s32 $0x9C00;
	s14 =	simm.s32 $0xDC00  }
0x5: {  	s15 =	simm.s32 $0x6;
	s16 =	simm.s32 $0x7;
	s17 =	simm.s32 $0x8  }
0x6: {  	s18 =	simm.s32 $0x9;
	s19 =	simm.s32 $0xA;
	s20 =	simm.s32 $0x0  }
0x7: {  	s4 =	sand.u32 $0x1, s1;
	s6 =	sshll.u32 s0, $0x1;
	[smem:$0x7FF] =	sst s3  }
0x8: {  	s6 =	sor.u32 s4, s6;
	_ =	strace $0x80000047;
	[dreg:$0x3] =	wrdreg s9  }
0x9: {  	s8 =	ssub.s32 $0x2, s4;
	s4 =	sadd.s32 $0x7800, s5;
	[dreg:$0x4] =	wrdreg s11  }
0xa: {  	s9 =	simm.s32 $0x11C00;
	s11 =	simm.s32 $0x2;
	[dreg:$0x5] =	wrdreg s12  }
0xb: {  	s12 =	simm.s32 $0x3;
	s7 =	smul.u32 $0x380, s6;
	s29 =	sshrl.u32 s8, $0x1  }
0xc: {  	[dreg:$0x6] =	wrdreg s13;
	s13 =	simm.s32 $0x4;
	s8 =	ssub.s32 s8, s29  }
0xd: {  	[dreg:$0x7] =	wrdreg s14;
	s7 =	sadd.s32 s7, s5;
	s31 =	smax.u32 s8, $0x1  }
0xe: {  	s14 =	simm.s32 $0x5;
	s30 =	sadd.s32 $0x800, s7;
	[dreg:$0x9] =	wrdreg s31  }
0xf: {  	s5 =	smul.u32 $0x1900, s6;
	s8 =	simm.s32 $0xB;
	[dreg:$0x8] =	wrdreg s30  }
.LBB2_1:
0x10: {  	s0 =	rddreg [dreg:$0x8]  }
0x11: {  	[tilespmem:s3], [sflag:$0xB] =	stream.linear.gather [hbm4b:s0+s3], $0x1900, $0x38;
	[tilespmem:$0x15C00] =	vst v63  }
0x12: {  	_ =	swait.ge [sflag:s8], $0x1900  }
0x13: {  	p0 =	por $0x0, $0x0;
	[sflag:s8] =	ssyncset.done $0x0  }
0x14: {  	s21 =	simm.s32 @p0 $0x6;
	[sflag:s8] =	ssyncadd.s32 $0xFFFFE700  }
0x15: {  	_ =	swait.ge @p0 [sflag:s21], $0x4000  }
0x16: {  	s22 =	simm.s32 @p0 $0x80;
	[sflag:s21] =	ssyncset.done @p0 $0x0  }
0x17: {  	s23 =	simm.s32 @p0 $0x1C00;
	[sflag:s21] =	ssyncadd.s32 @p0 $0xFFFFC000;
	s21 =	simm.s32 @p0 $0x7  }
0x18: {  	[tilespmem:s23], [sflag:$0x1] =	stream.indirect.gather @p0 [hbm4b:s4+s22], $0x80, s3, s22, $0xb8;
	[tilespmem:$0x15C00] =	vst v63  }
0x19: {  	_ =	swait.ge @p0 [sflag:s21], $0x4000  }
0x1a: {  	s24 =	simm.s32 @p0 $0x5C00;
	[sflag:s21] =	ssyncset.done @p0 $0x0  }
0x1b: {  	s23 =	simm.s32 @p0 $0x80;
	[sflag:s21] =	ssyncadd.s32 @p0 $0xFFFFC000;
	s21 =	simm.s32 @p0 $0x8  }
0x1c: {  	[tilespmem:s24], [sflag:$0x2] =	stream.indirect.gather @p0 [hbm4b:s4+s22], $0x80, s23, s22, $0xb8;
	[tilespmem:$0x15C00] =	vst v63  }
0x1d: {  	_ =	swait.ge @p0 [sflag:s21], $0x4000  }
0x1e: {  	s23 =	simm.s32 @p0 $0x100;
	[sflag:s21] =	ssyncset.done @p0 $0x0  }
0x1f: {  	s24 =	simm.s32 @p0 $0x9C00;
	[sflag:s21] =	ssyncadd.s32 @p0 $0xFFFFC000;
	s21 =	simm.s32 @p0 $0x9  }
0x20: {  	[tilespmem:s24], [sflag:$0x3] =	stream.indirect.gather @p0 [hbm4b:s4+s22], $0x80, s23, s22, $0xb8;
	[tilespmem:$0x15C00] =	vst v63  }
0x21: {  	_ =	swait.ge @p0 [sflag:s21], $0x4000  }
0x22: {  	s23 =	simm.s32 @p0 $0x180;
	[sflag:s21] =	ssyncset.done @p0 $0x0  }
0x23: {  	s24 =	simm.s32 @p0 $0xDC00;
	[sflag:s21] =	ssyncadd.s32 @p0 $0xFFFFC000;
	s21 =	simm.s32 @p0 $0xA  }
0x24: {  	[tilespmem:s24], [sflag:$0x4] =	stream.indirect.gather @p0 [hbm4b:s4+s22], $0x80, s23, s22, $0xb8;
	[tilespmem:$0x15C00] =	vst v63  }
0x25: {  	_ =	swait.ge @p0 [sflag:s21], $0x4000  }
0x26: {  	s22 =	simm.s32 @!p0 $0x80;
	[sflag:s21] =	ssyncset.done @p0 $0x0  }
0x27: {  	s23 =	simm.s32 @!p0 $0x0;
	[sflag:s21] =	ssyncadd.s32 @p0 $0xFFFFC000;
	s21 =	simm.s32 @!p0 $0x1C00  }
0x28: {  	[tilespmem:s21], [sflag:$0x1] =	stream.indirect.gather @!p0 [hbm4b:s4+s22], $0x80, s23, s22, $0xb8;
	[tilespmem:$0x15C00] =	vst v63  }
0x29: {  	s23 =	simm.s32 @!p0 $0x5C00  }
0x2a: {  	[tilespmem:s23], [sflag:$0x2] =	stream.indirect.gather @!p0 [hbm4b:s4+s22], $0x80, s22, s22, $0xb8;
	[tilespmem:$0x15C00] =	vst v63  }
0x2b: {  	s24 =	simm.s32 @!p0 $0x9C00;
	s21 =	simm.s32 @p0 $0x0;
	s23 =	simm.s32 @!p0 $0x100  }
0x2c: {  	[tilespmem:s24], [sflag:$0x3] =	stream.indirect.gather @!p0 [hbm4b:s4+s22], $0x80, s23, s22, $0xb8;
	[tilespmem:$0x15C00] =	vst v63  }
0x2d: {  	s21 =	simm.s32 @!p0 $0x0;
	s23 =	simm.s32 @!p0 $0x180;
	s24 =	simm.s32 @!p0 $0xDC00  }
0x2e: {  	[tilespmem:s24], [sflag:$0x4] =	stream.indirect.gather @!p0 [hbm4b:s4+s22], $0x80, s23, s22, $0xb8;
	[tilespmem:$0x15C00] =	vst v63  }
0x2f: {  	s25 =	rddreg [dreg:$0x3];
	s6 =	sadd.s32 $0x200, s21;
	s21 =	sadd.s32 s5, s21  }
0x30: {  	[tilespmem:s9], [sflag:$0x5] =	stream.indirect.gather [hbm4b:s4+s25], $0x80, s6, s25, $0xb8;
	[tilespmem:$0x15C00] =	vst v63  }
0x31: {  	s21 =	sshll.u32 s21, $0x4;
	s24 =	simm.s32 @p0 $0x80;
	_ =	swait.ge [sflag:s10], $0x4000  }
0x32: {  	s21 =	sadd.s32 s2, s21;
	s24 =	simm.s32 @!p0 $0x80;
	[sflag:s10] =	ssyncset.done $0x0  }
0x33: {  	s24 =	sadd.s32 s5, s24;
	s7 =	rddreg [dreg:$0x4];
	[sflag:s10] =	ssyncadd.s32 $0xFFFFC000  }
0x34: {  	[hbm4b:s21+s3] =	stream.linear.scatter [tilespmem:s7], [sflag:$0x6], $0x4000, $0x38;
	[tilespmem:$0x15C00] =	vst v63  }
0x35: {  	s23 =	simm.s32 $0x680;
	s21 =	sshll.u32 s24, $0x4;
	_ =	swait.ge [sflag:s11], $0x4000  }
0x36: {  	s24 =	simm.s32 @p0 $0x100;
	s21 =	sadd.s32 s2, s21;
	[sflag:s11] =	ssyncset.done $0x0  }
0x37: {  	s24 =	simm.s32 @!p0 $0x100;
	s25 =	rddreg [dreg:$0x5];
	[sflag:s11] =	ssyncadd.s32 $0xFFFFC000  }
0x38: {  	[hbm4b:s21+s3] =	stream.linear.scatter [tilespmem:s25], [sflag:$0x7], $0x4000, $0x38;
	[tilespmem:$0x15C00] =	vst v63  }
0x39: {  	s26 =	sadd.s32 s5, s24;
	s24 =	simm.s32 $0x180;
	_ =	swait.ge [sflag:s12], $0x4000  }
0x3a: {  	s24 =	simm.s32 @!p0 $0x180;
	s21 =	sshll.u32 s26, $0x4;
	[sflag:s12] =	ssyncset.done $0x0  }
0x3b: {  	s21 =	sadd.s32 s2, s21;
	s28 =	rddreg [dreg:$0x6];
	[sflag:s12] =	ssyncadd.s32 $0xFFFFC000  }
0x3c: {  	[hbm4b:s21+s3] =	stream.linear.scatter [tilespmem:s28], [sflag:$0x8], $0x4000, $0x38;
	[tilespmem:$0x15C00] =	vst v63  }
0x3d: {  	s22 =	sadd.s32 s5, s6;
	s29 =	sadd.s32 s5, s24;
	_ =	swait.ge [sflag:s13], $0x4000  }
0x3e: {  	s31 =	sshll.u32 s22, $0x4;
	s21 =	sshll.u32 s29, $0x4;
	[sflag:s13] =	ssyncset.done $0x0  }
0x3f: {  	s21 =	sadd.s32 s2, s21;
	s30 =	rddreg [dreg:$0x7];
	[sflag:s13] =	ssyncadd.s32 $0xFFFFC000  }
0x40: {  	[hbm4b:s21+s3] =	stream.linear.scatter [tilespmem:s30], [sflag:$0x9], $0x4000, $0x38;
	[tilespmem:$0x15C00] =	vst v63  }
0x41: {  	s22 =	simm.s32 $0x280;
	p0 =	por $0x1, $0x1;
	s21 =	simm.s32 $0x400  }
.LBB2_2:
0x42: {  	_ =	swait.ge [sflag:s14], $0x4000  }
0x43: {  	s26 =	simm.s32 @p0 $0x6;
	s24 =	sadd.s32 @p0 $0xFFFFFE80, s21;
	[sflag:s14] =	ssyncset.done $0x0  }
0x44: {  	s25 =	sadd.s32 s2, s31;
	s28 =	sadd.s32 @p0 $0xFFFFFF00, s21;
	[sflag:s14] =	ssyncadd.s32 $0xFFFFC000  }
0x45: {  	[hbm4b:s25+s3] =	stream.linear.scatter [tilespmem:s9], [sflag:$0xA], $0x4000, $0x38;
	[tilespmem:$0x15C00] =	vst v63  }
0x46: {  	s31 =	simm.s32 @p0 $0x80;
	s24 =	simm.s32 @!p0 $0x0;
	_ =	swait.ge @p0 [sflag:s26], $0x4000  }
0x47: {  	s1 =	simm.s32 @p0 $0x1C00;
	s29 =	sadd.s32 s5, s24;
	[sflag:s26] =	ssyncset.done @p0 $0x0  }
0x48: {  	s25 =	sshll.u32 s29, $0x4;
	s29 =	simm.s32 @p0 $0x7;
	[sflag:s26] =	ssyncadd.s32 @p0 $0xFFFFC000  }
0x49: {  	[tilespmem:s1], [sflag:$0x1] =	stream.indirect.gather @p0 [hbm4b:s4+s31], $0x80, s22, s31, $0xb8;
	[tilespmem:$0x15C00] =	vst v63  }
0x4a: {  	s28 =	simm.s32 @!p0 $0x80;
	_ =	swait.ge @p0 [sflag:s29], $0x4000  }
0x4b: {  	s7 =	sadd.s32 s5, s28;
	s28 =	simm.s32 @p0 $0x5C00;
	[sflag:s29] =	ssyncset.done @p0 $0x0  }
0x4c: {  	s1 =	sadd.s32 @p0 $0x80, s22;
	[sflag:s29] =	ssyncadd.s32 @p0 $0xFFFFC000;
	s29 =	simm.s32 @p0 $0x8  }
0x4d: {  	[tilespmem:s28], [sflag:$0x2] =	stream.indirect.gather @p0 [hbm4b:s4+s31], $0x80, s1, s31, $0xb8;
	[tilespmem:$0x15C00] =	vst v63  }
0x4e: {  	s0 =	sadd.s32 @p0 $0xFFFFFF80, s21;
	_ =	swait.ge @p0 [sflag:s29], $0x4000  }
0x4f: {  	s6 =	simm.s32 @p0 $0x9C00;
	s0 =	simm.s32 @!p0 $0x100;
	[sflag:s29] =	ssyncset.done @p0 $0x0  }
0x50: {  	s1 =	sadd.s32 @p0 $0x100, s22;
	[sflag:s29] =	ssyncadd.s32 @p0 $0xFFFFC000;
	s29 =	simm.s32 @p0 $0x9  }
0x51: {  	[tilespmem:s6], [sflag:$0x3] =	stream.indirect.gather @p0 [hbm4b:s4+s31], $0x80, s1, s31, $0xb8;
	[tilespmem:$0x15C00] =	vst v63  }
0x52: {  	s0 =	sadd.s32 s5, s0;
	s26 =	sshll.u32 s7, $0x4;
	_ =	swait.ge @p0 [sflag:s29], $0x4000  }
0x53: {  	s7 =	simm.s32 @p0 $0xA;
	s28 =	sshll.u32 s0, $0x4;
	[sflag:s29] =	ssyncset.done @p0 $0x0  }
0x54: {  	s0 =	sadd.s32 @p0 $0x180, s22;
	s1 =	simm.s32 @p0 $0xDC00;
	[sflag:s29] =	ssyncadd.s32 @p0 $0xFFFFC000  }
0x55: {  	[tilespmem:s1], [sflag:$0x4] =	stream.indirect.gather @p0 [hbm4b:s4+s31], $0x80, s0, s31, $0xb8;
	[tilespmem:$0x15C00] =	vst v63  }
0x56: {  	_ =	swait.ge @p0 [sflag:s7], $0x4000  }
0x57: {  	s6 =	simm.s32 @!p0 $0x1C00;
	[sflag:s7] =	ssyncset.done @p0 $0x0  }
0x58: {  	s0 =	simm.s32 @!p0 $0x80;
	s1 =	simm.s32 @!p0 $0x0;
	[sflag:s7] =	ssyncadd.s32 @p0 $0xFFFFC000  }
0x59: {  	[tilespmem:s6], [sflag:$0x1] =	stream.indirect.gather @!p0 [hbm4b:s4+s0], $0x80, s1, s0, $0xb8;
	[tilespmem:$0x15C00] =	vst v63  }
0x5a: {  	s30 =	smov.u32 s23;
	s21 =	simm.s32 @!p0 $0x180;
	s1 =	simm.s32 @!p0 $0x5C00  }
0x5b: {  	[tilespmem:s1], [sflag:$0x2] =	stream.indirect.gather @!p0 [hbm4b:s4+s0], $0x80, s0, s0, $0xb8;
	[tilespmem:$0x15C00] =	vst v63  }
0x5c: {  	s21 =	sadd.s32 s5, s21;
	s6 =	simm.s32 @!p0 $0x9C00;
	s1 =	simm.s32 @!p0 $0x100  }
0x5d: {  	[tilespmem:s6], [sflag:$0x3] =	stream.indirect.gather @!p0 [hbm4b:s4+s0], $0x80, s1, s0, $0xb8;
	[tilespmem:$0x15C00] =	vst v63  }
0x5e: {  	s24 =	sadd.s32 $0x200, s24;
	s7 =	simm.s32 @!p0 $0x180;
	s1 =	simm.s32 @!p0 $0xDC00  }
0x5f: {  	[tilespmem:s1], [sflag:$0x4] =	stream.indirect.gather @!p0 [hbm4b:s4+s0], $0x80, s7, s0, $0xb8;
	[tilespmem:$0x15C00] =	vst v63  }
0x60: {  	s29 =	sshll.u32 s21, $0x4;
	s21 =	smov.u32 s30;
	s30 =	rddreg [dreg:$0x3]  }
0x61: {  	[tilespmem:s9], [sflag:$0x5] =	stream.indirect.gather [hbm4b:s4+s30], $0x80, s24, s30, $0xb8;
	[tilespmem:$0x15C00] =	vst v63  }
0x62: {  	_ =	swait.ge [sflag:s10], $0x4000  }
0x63: {  	[sflag:s10] =	ssyncset.done $0x0  }
0x64: {  	s6 =	sadd.s32 s2, s25;
	s30 =	rddreg [dreg:$0x4];
	[sflag:s10] =	ssyncadd.s32 $0xFFFFC000  }
0x65: {  	[hbm4b:s6+s3] =	stream.linear.scatter [tilespmem:s30], [sflag:$0x6], $0x4000, $0x38;
	[tilespmem:$0x15C00] =	vst v63  }
0x66: {  	_ =	swait.ge [sflag:s11], $0x4000  }
0x67: {  	s0 =	sadd.s32 s5, s24;
	[sflag:s11] =	ssyncset.done $0x0  }
0x68: {  	s24 =	sadd.s32 s2, s26;
	s7 =	rddreg [dreg:$0x5];
	[sflag:s11] =	ssyncadd.s32 $0xFFFFC000  }
0x69: {  	[hbm4b:s24+s3] =	stream.linear.scatter [tilespmem:s7], [sflag:$0x7], $0x4000, $0x38;
	[tilespmem:$0x15C00] =	vst v63  }
0x6a: {  	s23 =	sadd.s32 $0x280, s23;
	_ =	swait.ge [sflag:s12], $0x4000  }
0x6b: {  	p1 =	sne.s32 s23, $0x1A80;
	[sflag:s12] =	ssyncset.done $0x0  }
0x6c: {  	s26 =	sadd.s32 s2, s28;
	s25 =	rddreg [dreg:$0x6];
	[sflag:s12] =	ssyncadd.s32 $0xFFFFC000  }
0x6d: {  	[hbm4b:s26+s3] =	stream.linear.scatter [tilespmem:s25], [sflag:$0x8], $0x4000, $0x38;
	[tilespmem:$0x15C00] =	vst v63  }
.Ltmp0:
0x6e: {  	_ = 	snop;
	(pc) =	sbr.rel @p1 .LBB2_2-.Ltmp0, $4  }
0x6f: {  	s22 =	sadd.s32 $0x280, s22;
	_ =	swait.ge [sflag:s13], $0x4000  }
0x70: {  	p0 =	sne.s32 s21, $0x180;
	s31 =	sshll.u32 s0, $0x4;
	[sflag:s13] =	ssyncset.done $0x0  }
0x71: {  	s30 =	sadd.s32 s2, s29;
	s28 =	rddreg [dreg:$0x7];
	[sflag:s13] =	ssyncadd.s32 $0xFFFFC000  }
0x72: {  	[hbm4b:s30+s3] =	stream.linear.scatter [tilespmem:s28], [sflag:$0x9], $0x4000, $0x38;
	[tilespmem:$0x15C00] =	vst v63  }
0x73: {  	_ =	swait.ge [sflag:s14], $0x4000  }
0x74: {  	[sflag:s14] =	ssyncset.done $0x0  }
0x75: {  	s0 =	simm.s32 @p0 $0x6;
	s1 =	sadd.s32 s2, s31;
	[sflag:s14] =	ssyncadd.s32 $0xFFFFC000  }
0x76: {  	[hbm4b:s1+s3] =	stream.linear.scatter [tilespmem:s9], [sflag:$0xA], $0x4000, $0x38;
	[tilespmem:$0x15C00] =	vst v63  }
0x77: {  	_ =	swait.ge @p0 [sflag:s0], $0x4000  }
0x78: {  	s6 =	simm.s32 @p0 $0x1C00;
	[sflag:s0] =	ssyncset.done @p0 $0x0  }
0x79: {  	s1 =	simm.s32 @p0 $0x80;
	[sflag:s0] =	ssyncadd.s32 @p0 $0xFFFFC000;
	s0 =	simm.s32 @p0 $0x7  }
0x7a: {  	[tilespmem:s6], [sflag:$0x1] =	stream.indirect.gather @p0 [hbm4b:s4+s1], $0x80, s22, s1, $0xb8;
	[tilespmem:$0x15C00] =	vst v63  }
0x7b: {  	_ =	swait.ge @p0 [sflag:s0], $0x4000  }
0x7c: {  	[sflag:s0] =	ssyncset.done @p0 $0x0  }
0x7d: {  	s6 =	sadd.s32 @p0 $0x80, s22;
	[sflag:s0] =	ssyncadd.s32 @p0 $0xFFFFC000;
	s0 =	simm.s32 @p0 $0x5C00  }
0x7e: {  	[tilespmem:s0], [sflag:$0x2] =	stream.indirect.gather @p0 [hbm4b:s4+s1], $0x80, s6, s1, $0xb8;
	[tilespmem:$0x15C00] =	vst v63  }
0x7f: {  	s0 =	simm.s32 @p0 $0x8  }
0x80: {  	_ =	swait.ge @p0 [sflag:s0], $0x4000  }
0x81: {  	[sflag:s0] =	ssyncset.done @p0 $0x0  }
0x82: {  	s6 =	sadd.s32 @p0 $0x100, s22;
	[sflag:s0] =	ssyncadd.s32 @p0 $0xFFFFC000;
	s0 =	simm.s32 @p0 $0x9C00  }
0x83: {  	[tilespmem:s0], [sflag:$0x3] =	stream.indirect.gather @p0 [hbm4b:s4+s1], $0x80, s6, s1, $0xb8;
	[tilespmem:$0x15C00] =	vst v63  }
0x84: {  	s0 =	simm.s32 @p0 $0x9  }
0x85: {  	_ =	swait.ge @p0 [sflag:s0], $0x4000  }
0x86: {  	[sflag:s0] =	ssyncset.done @p0 $0x0  }
0x87: {  	s6 =	sadd.s32 @p0 $0x180, s22;
	[sflag:s0] =	ssyncadd.s32 @p0 $0xFFFFC000;
	s0 =	simm.s32 @p0 $0xDC00  }
0x88: {  	[tilespmem:s0], [sflag:$0x4] =	stream.indirect.gather @p0 [hbm4b:s4+s1], $0x80, s6, s1, $0xb8;
	[tilespmem:$0x15C00] =	vst v63  }
0x89: {  	s0 =	simm.s32 @p0 $0xA  }
0x8a: {  	_ =	swait.ge @p0 [sflag:s0], $0x4000  }
0x8b: {  	s1 =	simm.s32 @!p0 $0x80;
	[sflag:s0] =	ssyncset.done @p0 $0x0  }
0x8c: {  	s6 =	simm.s32 @!p0 $0x0;
	[sflag:s0] =	ssyncadd.s32 @p0 $0xFFFFC000;
	s0 =	simm.s32 @!p0 $0x1C00  }
0x8d: {  	[tilespmem:s0], [sflag:$0x1] =	stream.indirect.gather @!p0 [hbm4b:s4+s1], $0x80, s6, s1, $0xb8;
	[tilespmem:$0x15C00] =	vst v63  }
0x8e: {  	s0 =	simm.s32 @!p0 $0x5C00  }
0x8f: {  	[tilespmem:s0], [sflag:$0x2] =	stream.indirect.gather @!p0 [hbm4b:s4+s1], $0x80, s1, s1, $0xb8;
	[tilespmem:$0x15C00] =	vst v63  }
0x90: {  	s6 =	simm.s32 @!p0 $0x9C00;
	s0 =	simm.s32 @!p0 $0x100  }
0x91: {  	[tilespmem:s6], [sflag:$0x3] =	stream.indirect.gather @!p0 [hbm4b:s4+s1], $0x80, s0, s1, $0xb8;
	[tilespmem:$0x15C00] =	vst v63  }
0x92: {  	s0 =	simm.s32 @!p0 $0x180;
	s6 =	simm.s32 @!p0 $0xDC00  }
0x93: {  	[tilespmem:s6], [sflag:$0x4] =	stream.indirect.gather @!p0 [hbm4b:s4+s1], $0x80, s0, s1, $0xb8;
	[tilespmem:$0x15C00] =	vst v63  }
0x94: {  	s0 =	sadd.s32 @p0 $0xFFFFFE80, s21  }
0x95: {  	s0 =	simm.s32 @!p0 $0x0  }
0x96: {  	s22 =	rddreg [dreg:$0x3];
	s23 =	sadd.s32 $0x200, s0  }
0x97: {  	[tilespmem:s9], [sflag:$0x5] =	stream.indirect.gather [hbm4b:s4+s22], $0x80, s23, s22, $0xb8;
	[tilespmem:$0x15C00] =	vst v63  }
0x98: {  	s0 =	sadd.s32 s5, s0;
	_ =	swait.ge [sflag:s10], $0x4000  }
0x99: {  	s0 =	sshll.u32 s0, $0x4;
	[sflag:s10] =	ssyncset.done $0x0  }
0x9a: {  	s0 =	sadd.s32 s2, s0;
	s24 =	rddreg [dreg:$0x4];
	[sflag:s10] =	ssyncadd.s32 $0xFFFFC000  }
0x9b: {  	[hbm4b:s0+s3] =	stream.linear.scatter [tilespmem:s24], [sflag:$0x6], $0x4000, $0x38;
	[tilespmem:$0x15C00] =	vst v63  }
0x9c: {  	s0 =	sadd.s32 @p0 $0xFFFFFF00, s21  }
0x9d: {  	s0 =	simm.s32 @!p0 $0x80  }
0x9e: {  	_ =	swait.ge [sflag:s11], $0x4000;
	s0 =	sadd.s32 s5, s0  }
0x9f: {  	[sflag:s11] =	ssyncset.done $0x0;
	s0 =	sshll.u32 s0, $0x4  }
0xa0: {  	s25 =	rddreg [dreg:$0x5];
	[sflag:s11] =	ssyncadd.s32 $0xFFFFC000;
	s0 =	sadd.s32 s2, s0  }
0xa1: {  	[hbm4b:s0+s3] =	stream.linear.scatter [tilespmem:s25], [sflag:$0x7], $0x4000, $0x38;
	[tilespmem:$0x15C00] =	vst v63  }
0xa2: {  	s0 =	sadd.s32 @p0 $0xFFFFFF80, s21  }
0xa3: {  	s0 =	simm.s32 @!p0 $0x100  }
0xa4: {  	_ =	swait.ge [sflag:s12], $0x4000;
	s0 =	sadd.s32 s5, s0  }
0xa5: {  	s21 =	simm.s32 @!p0 $0x180;
	[sflag:s12] =	ssyncset.done $0x0;
	s0 =	sshll.u32 s0, $0x4  }
0xa6: {  	s26 =	rddreg [dreg:$0x6];
	[sflag:s12] =	ssyncadd.s32 $0xFFFFC000;
	s0 =	sadd.s32 s2, s0  }
0xa7: {  	[hbm4b:s0+s3] =	stream.linear.scatter [tilespmem:s26], [sflag:$0x8], $0x4000, $0x38;
	[tilespmem:$0x15C00] =	vst v63  }
0xa8: {  	s28 =	sadd.s32 s5, s21;
	_ =	swait.ge [sflag:s13], $0x4000  }
0xa9: {  	s0 =	sshll.u32 s28, $0x4;
	[sflag:s13] =	ssyncset.done $0x0  }
0xaa: {  	s0 =	sadd.s32 s2, s0;
	s29 =	rddreg [dreg:$0x7];
	[sflag:s13] =	ssyncadd.s32 $0xFFFFC000  }
0xab: {  	[hbm4b:s0+s3] =	stream.linear.scatter [tilespmem:s29], [sflag:$0x9], $0x4000, $0x38;
	[tilespmem:$0x15C00] =	vst v63  }
0xac: {  	s30 =	sadd.s32 s5, s23;
	_ =	swait.ge [sflag:s14], $0x4000  }
0xad: {  	s0 =	sshll.u32 s30, $0x4;
	[sflag:s14] =	ssyncset.done $0x0  }
0xae: {  	s0 =	sadd.s32 s2, s0;
	[sflag:s14] =	ssyncadd.s32 $0xFFFFC000  }
0xaf: {  	[hbm4b:s0+s3] =	stream.linear.scatter [tilespmem:s9], [sflag:$0xA], $0x4000, $0x38;
	[tilespmem:$0x15C00] =	vst v63  }
0xb0: {  	_ =	swait.ge [sflag:s15], $0x4000  }
0xb1: {  	[sflag:s15] =	ssyncset.done $0x0  }
0xb2: {  	[sflag:s15] =	ssyncadd.s32 $0xFFFFC000  }
0xb3: {  	_ =	swait.ge [sflag:s16], $0x4000  }
0xb4: {  	[sflag:s16] =	ssyncset.done $0x0  }
0xb5: {  	[sflag:s16] =	ssyncadd.s32 $0xFFFFC000  }
0xb6: {  	_ =	swait.ge [sflag:s17], $0x4000  }
0xb7: {  	[sflag:s17] =	ssyncset.done $0x0  }
0xb8: {  	[sflag:s17] =	ssyncadd.s32 $0xFFFFC000  }
0xb9: {  	_ =	swait.ge [sflag:s18], $0x4000  }
0xba: {  	[sflag:s18] =	ssyncset.done $0x0  }
0xbb: {  	[sflag:s18] =	ssyncadd.s32 $0xFFFFC000  }
0xbc: {  	_ =	swait.ge [sflag:s19], $0x4000  }
0xbd: {  	s20 =	sadd.s32 $0x1, s20;
	s31 =	rddreg [dreg:$0x9]  }
0xbe: {  	p0 =	sne.s32 s20, s31  }
.Ltmp1:
0xbf: {  	_ = 	snop;
	(pc) =	sbr.rel @p0 .LBB2_1-.Ltmp1, $3  }
0xc0: {  	_ =	sdelay $0x1  }
0xc1: {  	[sflag:s19] =	ssyncset.done $0x0  }
0xc2: {  	[sflag:s19] =	ssyncadd.s32 $0xFFFFC000  }
0xc3: {  	_ =	sfence.sel $0x180000  }
0xc4: {  	[bflag:$0x0] =	sbarrier.arrive $0xFFFF  }
0xc5: {  	_ =	strace $0x90000047  }
0xc6: {  	s0 =	stileid.u32;
	[bflag:$0x2] =	sbarrier.arrive $0xFFFF  }
0xc7: {  	p0 =	sne.s32 s0, $0x0;
	s0 =	rddreg [dreg:$0x2]  }
0xc8: {  	s0 =	sadd.s32 @!p0 $0x100000, s0  }
0xc9: {  	[sflag:s0] =	ssyncadd.tile.s32 @!p0 $0x1;
	_ =	shalt  }
.Lfunc_end2:
_tile_overlayer_lowered:
.L_overlay_start_2:
0xca: {  	(tag) =	ssettag $0x2  }
0xcb: {  	s0 =	rddreg [dreg:$0x0];
	s2 =	stileid.u32  }
0xcc: {  	s1 =	rddreg [dreg:$0x1];
	p0 =	sne.s32 s2, $0x0  }
0xcd: {  	s3 =	rddreg [dreg:$0x2];
	[bflag:$0x3] =	sbarrier.arrive $0xFFFF;
	s2 =	simm.s32 @!p0 $0x1C0B  }
0xce: {  	[timem:s3], [sflag:s2] =	dma.local @!p0 [hbm:s0], s1  }
0xcf: {  	s0 =	simm.s32 @!p0 $0xB  }
0xd0: {  	_ =	swait.ge @!p0 [sflag:s0], s1  }
0xd1: {  	s1 =	ssub.s32 @!p0 $0x0, s1;
	[sflag:s0] =	ssyncset.done @!p0 $0x0  }
0xd2: {  	[sflag:s0] =	ssyncadd.s32 @!p0 s1  }
0xd3: {  	[bflag:$0x3] =	sbarrier.arrive $0xFFFF  }
0xd4: {  	_ =	shalt  }

</sc_bundles>
